<compile_context>
chip_gen: v7x
topology: tpu7x:2x2x1
jax: 0.10.2.dev20260603
libtpu: 0.0.44.dev20260713+nightly
codegen_flags: <defaults>
</compile_context>

<pallas_src>
import functools

import jax
import jax.numpy as jnp
from jax import lax
from jax.experimental import pallas as pl
from jax.experimental.pallas import tpu as pltpu
from jax.experimental.pallas import tpu_sc as plsc

N_NODES = 10000
N_EDGES = 320000
D_FEAT = 128

_NC = 2
_NS = 16
_NW = _NC * _NS
_E_PER_W = N_EDGES // _NW
_LANES = 16
_UNROLL = 8


def _matvec_body(x_ref, w_ref, b_ref, t_ref):
    out = lax.dot_general(
        w_ref[...], x_ref[...],
        (((1,), (1,)), ((), ())),
        preferred_element_type=jnp.float32,
    )
    p = (out[0] + b_ref[0]).astype(jnp.bfloat16)
    q = out[1].astype(jnp.bfloat16)
    p_bits = lax.bitcast_convert_type(p, jnp.uint16).astype(jnp.uint32)
    q_bits = lax.bitcast_convert_type(q, jnp.uint16).astype(jnp.uint32)
    t_ref[...] = ((p_bits << 16) | q_bits).astype(jnp.int32)


def _node_tables(x, W, b):
    w2 = W.reshape(2, D_FEAT)
    return pl.pallas_call(
        _matvec_body,
        in_specs=[
            pl.BlockSpec(memory_space=pltpu.VMEM),
            pl.BlockSpec(memory_space=pltpu.VMEM),
            pl.BlockSpec(memory_space=pltpu.SMEM),
        ],
        out_shape=jax.ShapeDtypeStruct((N_NODES,), jnp.int32),
    )(x, w2, b)


def _make_sc_kernel():
    mesh = plsc.VectorSubcoreMesh(core_axis_name="c", subcore_axis_name="s")

    @functools.partial(
        pl.kernel,
        mesh=mesh,
        out_type=jax.ShapeDtypeStruct((N_EDGES,), jnp.float32),
        compiler_params=pltpu.CompilerParams(needs_layout_passes=False),
        scratch_types=[
            pltpu.VMEM((N_NODES,), jnp.int32),
            pltpu.VMEM((_E_PER_W,), jnp.int32),
            pltpu.VMEM((_E_PER_W,), jnp.int32),
            pltpu.VMEM((_E_PER_W,), jnp.float32),
            pltpu.SemaphoreType.DMA,
            pltpu.SemaphoreType.DMA,
            pltpu.SemaphoreType.DMA,
        ],
    )
    def sc_edge_kernel(t_hbm, src_hbm, trg_hbm, out_hbm,
                       t_v, src_v, trg_v, out_v, sem0, sem1, semo):
        wid = lax.axis_index("s") * _NC + lax.axis_index("c")
        base = wid * _E_PER_W
        half = _E_PER_W // 2
        c1 = pltpu.async_copy(t_hbm, t_v, sem0)
        c2 = pltpu.async_copy(src_hbm.at[pl.ds(base, half)],
                              src_v.at[pl.ds(0, half)], sem0)
        c3 = pltpu.async_copy(trg_hbm.at[pl.ds(base, half)],
                              trg_v.at[pl.ds(0, half)], sem0)
        c4 = pltpu.async_copy(src_hbm.at[pl.ds(base + half, half)],
                              src_v.at[pl.ds(half, half)], sem1)
        c5 = pltpu.async_copy(trg_hbm.at[pl.ds(base + half, half)],
                              trg_v.at[pl.ds(half, half)], sem1)
        c1.wait()
        c2.wait()
        c3.wait()

        hi_mask = jnp.int32(-65536)

        def edge_block(lo, hi):
            @plsc.parallel_loop(lo, hi, 1, unroll=_UNROLL)
            def _body(i):
                off = i * _LANES
                si = src_v[pl.ds(off, _LANES)]
                ti = trg_v[pl.ds(off, _LANES)]
                sw = plsc.load_gather(t_v, [si])
                tw = plsc.load_gather(t_v, [ti])
                pv = plsc.bitcast(sw & hi_mask, jnp.float32)
                qv = plsc.bitcast(tw << 16, jnp.float32)
                z = pv + qv
                out_v[pl.ds(off, _LANES)] = 1.0 / (1.0 + jnp.exp(-z))

        edge_block(0, half // _LANES)
        co = pltpu.async_copy(out_v.at[pl.ds(0, half)],
                              out_hbm.at[pl.ds(base, half)], semo)
        c4.wait()
        c5.wait()
        edge_block(half // _LANES, _E_PER_W // _LANES)
        co.wait()
        pltpu.sync_copy(out_v.at[pl.ds(half, half)],
                        out_hbm.at[pl.ds(base + half, half)])

    return sc_edge_kernel


_SC_KERNEL = _make_sc_kernel()


def kernel(input, edge_src_nodes, edge_trg_nodes, W, b):
    x = input.reshape(-1, input.shape[-1]).astype(jnp.float32)
    t = _node_tables(x, W.astype(jnp.float32), b.astype(jnp.float32))
    src = edge_src_nodes.astype(jnp.int32)
    trg = edge_trg_nodes.astype(jnp.int32)
    return _SC_KERNEL(t, src, trg).reshape(N_EDGES, 1)

# --- scband reference (transcript-rebuilt; emitter-appended) ---
"""Pipeline reference for scband-prediction-layer-55490977464949 (READ-ONLY COPY).

The authoritative reference and input builder live on the scoring server;
editing this copy changes nothing except your own understanding.
"""

import jax, jax.numpy as jnp
import numpy as np

N_NODES = 10000
N_EDGES = 320000
D_FEAT = 128
OUT_FEATURES = 1


def setup_inputs(seed: int = 0) -> dict:
    key = jax.random.key(seed)
    k1, k2, k3, k4, k5 = jax.random.split(key, 5)
    x = jax.random.normal(k1, (N_NODES, D_FEAT), dtype=jnp.float32)
    edge_src_nodes = jax.random.randint(k2, (N_EDGES,), 0, N_NODES, dtype=jnp.int64)
    edge_trg_nodes = jax.random.randint(k3, (N_EDGES,), 0, N_NODES, dtype=jnp.int64)
    # Linear(2*in_features, out_features) with xavier_uniform weight init
    fan_in = 2 * D_FEAT
    fan_out = OUT_FEATURES
    limit = float(np.sqrt(6.0 / (fan_in + fan_out)))
    W = jax.random.uniform(k4, (fan_out, fan_in), dtype=jnp.float32, minval=-limit, maxval=limit)
    b_bound = 1.0 / float(np.sqrt(fan_in))
    b = jax.random.uniform(k5, (fan_out,), dtype=jnp.float32, minval=-b_bound, maxval=b_bound)
    return {"input": x, "edge_src_nodes": edge_src_nodes, "edge_trg_nodes": edge_trg_nodes, "W": W, "b": b}


def reference(input, edge_src_nodes, edge_trg_nodes, W, b):
    flat = input.reshape(-1, input.shape[-1])
    src_nodes_features = jnp.take(flat, edge_src_nodes, axis=0)
    trg_nodes_features = jnp.take(flat, edge_trg_nodes, axis=0)
    edges_features = jnp.concatenate((src_nodes_features, trg_nodes_features), axis=1)
    output = edges_features @ W.T + b
    return jax.nn.sigmoid(output)

if __name__ == "__main__":
    import jax
    _d = setup_inputs()
    print(jax.jit(kernel)(*tuple(_d.values())))

</pallas_src>

<mosaic_0001>
#map = affine_map<(d0, d1) -> (0)>
module attributes {stable_mosaic.version = 14 : i64} {
  func.func @sc_edge_kernel(%arg0: i32, %arg1: i32, %arg2: memref<10000xi32, #tpu.memory_space<hbm>>, %arg3: memref<320000xi32, #tpu.memory_space<hbm>>, %arg4: memref<320000xi32, #tpu.memory_space<hbm>>, %arg5: memref<320000xf32, #tpu.memory_space<hbm>>, %arg6: memref<10000xi32, #tpu.memory_space<vmem>>, %arg7: memref<10000xi32, #tpu.memory_space<vmem>>, %arg8: memref<10000xi32, #tpu.memory_space<vmem>>, %arg9: memref<10000xf32, #tpu.memory_space<vmem>>, %arg10: memref<!tpu.dma_semaphore, #tpu.memory_space<semaphore_mem>>, %arg11: memref<!tpu.dma_semaphore, #tpu.memory_space<semaphore_mem>>, %arg12: memref<!tpu.dma_semaphore, #tpu.memory_space<semaphore_mem>>) attributes {dimension_semantics = [#tpu.dimension_semantics<core_parallel>, #tpu.dimension_semantics<subcore_parallel>], iteration_bounds = array<i64: 2, 16>, scalar_prefetch = 0 : i64, scratch_operands = 7 : i64, tpu.core_type = #tpu.core_type<sc_vector_subcore>, window_params = [{transform_indices = #map}, {transform_indices = #map}, {transform_indices = #map}, {transform_indices = #map}]} {
    %mul3A = arith.constant 2 : i32
    %mul3A_0 = arith.muli %arg1, %mul3A : i32
    %add3A = arith.addi %mul3A_0, %arg0 : i32
    %mul3A_1 = arith.constant 10000 : i32
    %mul3A_2 = arith.muli %add3A, %mul3A_1 : i32
    tpu.enqueue_dma source(%arg2 : memref<10000xi32, #tpu.memory_space<hbm>>) target(%arg6 : memref<10000xi32, #tpu.memory_space<vmem>>) target_semaphore(%arg10 : memref<!tpu.dma_semaphore, #tpu.memory_space<semaphore_mem>>)
    %dma_start3A = arith.constant 0 : i32
    %dma_start3A_3 = tpu.memref_slice %arg7[%dma_start3A] : memref<10000xi32, #tpu.memory_space<vmem>> -> memref<5000xi32, #tpu.memory_space<vmem>>
    %dma_start3A_4 = tpu.memref_slice %arg3[%mul3A_2] : memref<320000xi32, #tpu.memory_space<hbm>> -> memref<5000xi32, #tpu.memory_space<hbm>>
    %dma_start3A_5 = arith.constant 0 : i32
    %dma_start3A_6 = tpu.memref_slice %arg7[%dma_start3A_5] : memref<10000xi32, #tpu.memory_space<vmem>> -> memref<5000xi32, #tpu.memory_space<vmem>>
    %dma_start3A_7 = tpu.memref_slice %arg3[%mul3A_2] : memref<320000xi32, #tpu.memory_space<hbm>> -> memref<5000xi32, #tpu.memory_space<hbm>>
    tpu.enqueue_dma source(%dma_start3A_7 : memref<5000xi32, #tpu.memory_space<hbm>>) target(%dma_start3A_6 : memref<5000xi32, #tpu.memory_space<vmem>>) target_semaphore(%arg10 : memref<!tpu.dma_semaphore, #tpu.memory_space<semaphore_mem>>)
    %dma_start3A_8 = arith.constant 0 : i32
    %dma_start3A_9 = tpu.memref_slice %arg8[%dma_start3A_8] : memref<10000xi32, #tpu.memory_space<vmem>> -> memref<5000xi32, #tpu.memory_space<vmem>>
    %dma_start3A_10 = tpu.memref_slice %arg4[%mul3A_2] : memref<320000xi32, #tpu.memory_space<hbm>> -> memref<5000xi32, #tpu.memory_space<hbm>>
    %dma_start3A_11 = arith.constant 0 : i32
    %dma_start3A_12 = tpu.memref_slice %arg8[%dma_start3A_11] : memref<10000xi32, #tpu.memory_space<vmem>> -> memref<5000xi32, #tpu.memory_space<vmem>>
    %dma_start3A_13 = tpu.memref_slice %arg4[%mul3A_2] : memref<320000xi32, #tpu.memory_space<hbm>> -> memref<5000xi32, #tpu.memory_space<hbm>>
    tpu.enqueue_dma source(%dma_start3A_13 : memref<5000xi32, #tpu.memory_space<hbm>>) target(%dma_start3A_12 : memref<5000xi32, #tpu.memory_space<vmem>>) target_semaphore(%arg10 : memref<!tpu.dma_semaphore, #tpu.memory_space<semaphore_mem>>)
    %add3A_14 = arith.constant 5000 : i32
    %add3A_15 = arith.addi %mul3A_2, %add3A_14 : i32
    %dma_start3A_16 = arith.constant 5000 : i32
    %dma_start3A_17 = tpu.memref_slice %arg7[%dma_start3A_16] : memref<10000xi32, #tpu.memory_space<vmem>> -> memref<5000xi32, #tpu.memory_space<vmem>>
    %dma_start3A_18 = tpu.memref_slice %arg3[%add3A_15] : memref<320000xi32, #tpu.memory_space<hbm>> -> memref<5000xi32, #tpu.memory_space<hbm>>
    %dma_start3A_19 = arith.constant 5000 : i32
    %dma_start3A_20 = tpu.memref_slice %arg7[%dma_start3A_19] : memref<10000xi32, #tpu.memory_space<vmem>> -> memref<5000xi32, #tpu.memory_space<vmem>>
    %dma_start3A_21 = tpu.memref_slice %arg3[%add3A_15] : memref<320000xi32, #tpu.memory_space<hbm>> -> memref<5000xi32, #tpu.memory_space<hbm>>
    tpu.enqueue_dma source(%dma_start3A_21 : memref<5000xi32, #tpu.memory_space<hbm>>) target(%dma_start3A_20 : memref<5000xi32, #tpu.memory_space<vmem>>) target_semaphore(%arg11 : memref<!tpu.dma_semaphore, #tpu.memory_space<semaphore_mem>>)
    %add3A_22 = arith.constant 5000 : i32
    %add3A_23 = arith.addi %mul3A_2, %add3A_22 : i32
    %dma_start3A_24 = arith.constant 5000 : i32
    %dma_start3A_25 = tpu.memref_slice %arg8[%dma_start3A_24] : memref<10000xi32, #tpu.memory_space<vmem>> -> memref<5000xi32, #tpu.memory_space<vmem>>
    %dma_start3A_26 = tpu.memref_slice %arg4[%add3A_23] : memref<320000xi32, #tpu.memory_space<hbm>> -> memref<5000xi32, #tpu.memory_space<hbm>>
    %dma_start3A_27 = arith.constant 5000 : i32
    %dma_start3A_28 = tpu.memref_slice %arg8[%dma_start3A_27] : memref<10000xi32, #tpu.memory_space<vmem>> -> memref<5000xi32, #tpu.memory_space<vmem>>
    %dma_start3A_29 = tpu.memref_slice %arg4[%add3A_23] : memref<320000xi32, #tpu.memory_space<hbm>> -> memref<5000xi32, #tpu.memory_space<hbm>>
    tpu.enqueue_dma source(%dma_start3A_29 : memref<5000xi32, #tpu.memory_space<hbm>>) target(%dma_start3A_28 : memref<5000xi32, #tpu.memory_space<vmem>>) target_semaphore(%arg11 : memref<!tpu.dma_semaphore, #tpu.memory_space<semaphore_mem>>)
    tpu.wait_dma2 semaphore(%arg10 : memref<!tpu.dma_semaphore, #tpu.memory_space<semaphore_mem>>) src(%arg2 : memref<10000xi32, #tpu.memory_space<hbm>>) dst(%arg6 : memref<10000xi32, #tpu.memory_space<vmem>>)
    %dma_wait3A = arith.constant 0 : i32
    %dma_wait3A_30 = tpu.memref_slice %arg7[%dma_wait3A] : memref<10000xi32, #tpu.memory_space<vmem>> -> memref<5000xi32, #tpu.memory_space<vmem>>
    %dma_wait3A_31 = tpu.memref_slice %arg3[%mul3A_2] : memref<320000xi32, #tpu.memory_space<hbm>> -> memref<5000xi32, #tpu.memory_space<hbm>>
    %dma_wait3A_32 = arith.constant 0 : i32
    %dma_wait3A_33 = tpu.memref_slice %arg7[%dma_wait3A_32] : memref<10000xi32, #tpu.memory_space<vmem>> -> memref<5000xi32, #tpu.memory_space<vmem>>
    %dma_wait3A_34 = tpu.memref_slice %arg3[%mul3A_2] : memref<320000xi32, #tpu.memory_space<hbm>> -> memref<5000xi32, #tpu.memory_space<hbm>>
    tpu.wait_dma2 semaphore(%arg10 : memref<!tpu.dma_semaphore, #tpu.memory_space<semaphore_mem>>) src(%dma_wait3A_34 : memref<5000xi32, #tpu.memory_space<hbm>>) dst(%dma_wait3A_33 : memref<5000xi32, #tpu.memory_space<vmem>>)
    %dma_wait3A_35 = arith.constant 0 : i32
    %dma_wait3A_36 = tpu.memref_slice %arg8[%dma_wait3A_35] : memref<10000xi32, #tpu.memory_space<vmem>> -> memref<5000xi32, #tpu.memory_space<vmem>>
    %dma_wait3A_37 = tpu.memref_slice %arg4[%mul3A_2] : memref<320000xi32, #tpu.memory_space<hbm>> -> memref<5000xi32, #tpu.memory_space<hbm>>
    %dma_wait3A_38 = arith.constant 0 : i32
    %dma_wait3A_39 = tpu.memref_slice %arg8[%dma_wait3A_38] : memref<10000xi32, #tpu.memory_space<vmem>> -> memref<5000xi32, #tpu.memory_space<vmem>>
    %dma_wait3A_40 = tpu.memref_slice %arg4[%mul3A_2] : memref<320000xi32, #tpu.memory_space<hbm>> -> memref<5000xi32, #tpu.memory_space<hbm>>
    tpu.wait_dma2 semaphore(%arg10 : memref<!tpu.dma_semaphore, #tpu.memory_space<semaphore_mem>>) src(%dma_wait3A_40 : memref<5000xi32, #tpu.memory_space<hbm>>) dst(%dma_wait3A_39 : memref<5000xi32, #tpu.memory_space<vmem>>)
    %parallel_loop3A = arith.constant 0 : i32
    %parallel_loop3A_41 = arith.constant 312 : i32
    %parallel_loop3A_42 = arith.constant 1 : i32
    %parallel_loop3A_43 = arith.constant -65536 : i32
    scf.for %parallel_loop3A_74 = %parallel_loop3A to %parallel_loop3A_41 step %parallel_loop3A_42  : i32 {
      %parallel_loop3A_75 = arith.constant 16 : i32
      %parallel_loop3A_76 = arith.muli %parallel_loop3A_74, %parallel_loop3A_75 : i32
      %parallel_loop3A_77 = arith.index_cast %parallel_loop3A_76 : i32 to index
      %parallel_loop3A_78 = tpu.vector_load %arg7[%parallel_loop3A_77] {strides = array<i32>} : memref<10000xi32, #tpu.memory_space<vmem>>, vector<16xi32>,
      %parallel_loop3A_79 = arith.index_cast %parallel_loop3A_76 : i32 to index
      %parallel_loop3A_80 = tpu.vector_load %arg8[%parallel_loop3A_79] {strides = array<i32>} : memref<10000xi32, #tpu.memory_space<vmem>>, vector<16xi32>,
      %parallel_loop3A_81 = tpu.vector_load_idx %arg6[%parallel_loop3A_78] : memref<10000xi32, #tpu.memory_space<vmem>>[vector<16xi32>], vector<16xi32>,
      %parallel_loop3A_82 = tpu.vector_load_idx %arg6[%parallel_loop3A_80] : memref<10000xi32, #tpu.memory_space<vmem>>[vector<16xi32>], vector<16xi32>,
      %parallel_loop3A_83 = vector.broadcast %parallel_loop3A_43 : i32 to vector<16xi32>
      %parallel_loop3A_84 = arith.andi %parallel_loop3A_81, %parallel_loop3A_83 : vector<16xi32>
      %parallel_loop3A_85 = vector.bitcast %parallel_loop3A_84 : vector<16xi32> to vector<16xf32>
      %parallel_loop3A_86 = arith.constant 16 : i32
      %parallel_loop3A_87 = vector.broadcast %parallel_loop3A_86 : i32 to vector<16xi32>
      %parallel_loop3A_88 = arith.shli %parallel_loop3A_82, %parallel_loop3A_87 : vector<16xi32>
      %parallel_loop3A_89 = vector.bitcast %parallel_loop3A_88 : vector<16xi32> to vector<16xf32>
      %parallel_loop3A_90 = arith.addf %parallel_loop3A_85, %parallel_loop3A_89 : vector<16xf32>
      %parallel_loop3A_91 = arith.constant 0.000000e+00 : f32
      %parallel_loop3A_92 = vector.broadcast %parallel_loop3A_91 : f32 to vector<16xf32>
      %parallel_loop3A_93 = arith.subf %parallel_loop3A_92, %parallel_loop3A_90 : vector<16xf32>
      %parallel_loop3A_94 = math.exp %parallel_loop3A_93 : vector<16xf32>
      %parallel_loop3A_95 = arith.constant 1.000000e+00 : f32
      %parallel_loop3A_96 = vector.broadcast %parallel_loop3A_95 : f32 to vector<16xf32>
      %parallel_loop3A_97 = arith.addf %parallel_loop3A_96, %parallel_loop3A_94 : vector<16xf32>
      %parallel_loop3A_98 = arith.constant 1.000000e+00 : f32
      %parallel_loop3A_99 = vector.broadcast %parallel_loop3A_98 : f32 to vector<16xf32>
      %parallel_loop3A_100 = arith.divf %parallel_loop3A_99, %parallel_loop3A_97 : vector<16xf32>
      %parallel_loop3A_101 = arith.index_cast %parallel_loop3A_76 : i32 to index
      %parallel_loop3A_102 = tpu.vector_load %arg9[%parallel_loop3A_101] {strides = array<i32>} : memref<10000xf32, #tpu.memory_space<vmem>>, vector<16xf32>,
      tpu.vector_store %arg9[%parallel_loop3A_101], %parallel_loop3A_100 {strides = array<i32>} : memref<10000xf32, #tpu.memory_space<vmem>>, vector<16xf32>,
    } {sc.loop_unroll_factor = 8 : i64, sc.parallel_access}
    %dma_start3A_44 = arith.constant 0 : i32
    %dma_start3A_45 = tpu.memref_slice %arg9[%dma_start3A_44] : memref<10000xf32, #tpu.memory_space<vmem>> -> memref<5000xf32, #tpu.memory_space<vmem>>
    %dma_start3A_46 = tpu.memref_slice %arg5[%mul3A_2] : memref<320000xf32, #tpu.memory_space<hbm>> -> memref<5000xf32, #tpu.memory_space<hbm>>
    %dma_start3A_47 = tpu.memref_slice %arg5[%mul3A_2] : memref<320000xf32, #tpu.memory_space<hbm>> -> memref<5000xf32, #tpu.memory_space<hbm>>
    %dma_start3A_48 = arith.constant 0 : i32
    %dma_start3A_49 = tpu.memref_slice %arg9[%dma_start3A_48] : memref<10000xf32, #tpu.memory_space<vmem>> -> memref<5000xf32, #tpu.memory_space<vmem>>
    tpu.enqueue_dma source(%dma_start3A_49 : memref<5000xf32, #tpu.memory_space<vmem>>) target(%dma_start3A_47 : memref<5000xf32, #tpu.memory_space<hbm>>) target_semaphore(%arg12 : memref<!tpu.dma_semaphore, #tpu.memory_space<semaphore_mem>>)
    %dma_wait3A_50 = arith.constant 5000 : i32
    %dma_wait3A_51 = tpu.memref_slice %arg7[%dma_wait3A_50] : memref<10000xi32, #tpu.memory_space<vmem>> -> memref<5000xi32, #tpu.memory_space<vmem>>
    %dma_wait3A_52 = tpu.memref_slice %arg3[%add3A_15] : memref<320000xi32, #tpu.memory_space<hbm>> -> memref<5000xi32, #tpu.memory_space<hbm>>
    %dma_wait3A_53 = arith.constant 5000 : i32
    %dma_wait3A_54 = tpu.memref_slice %arg7[%dma_wait3A_53] : memref<10000xi32, #tpu.memory_space<vmem>> -> memref<5000xi32, #tpu.memory_space<vmem>>
    %dma_wait3A_55 = tpu.memref_slice %arg3[%add3A_15] : memref<320000xi32, #tpu.memory_space<hbm>> -> memref<5000xi32, #tpu.memory_space<hbm>>
    tpu.wait_dma2 semaphore(%arg11 : memref<!tpu.dma_semaphore, #tpu.memory_space<semaphore_mem>>) src(%dma_wait3A_55 : memref<5000xi32, #tpu.memory_space<hbm>>) dst(%dma_wait3A_54 : memref<5000xi32, #tpu.memory_space<vmem>>)
    %dma_wait3A_56 = arith.constant 5000 : i32
    %dma_wait3A_57 = tpu.memref_slice %arg8[%dma_wait3A_56] : memref<10000xi32, #tpu.memory_space<vmem>> -> memref<5000xi32, #tpu.memory_space<vmem>>
    %dma_wait3A_58 = tpu.memref_slice %arg4[%add3A_23] : memref<320000xi32, #tpu.memory_space<hbm>> -> memref<5000xi32, #tpu.memory_space<hbm>>
    %dma_wait3A_59 = arith.constant 5000 : i32
    %dma_wait3A_60 = tpu.memref_slice %arg8[%dma_wait3A_59] : memref<10000xi32, #tpu.memory_space<vmem>> -> memref<5000xi32, #tpu.memory_space<vmem>>
    %dma_wait3A_61 = tpu.memref_slice %arg4[%add3A_23] : memref<320000xi32, #tpu.memory_space<hbm>> -> memref<5000xi32, #tpu.memory_space<hbm>>
    tpu.wait_dma2 semaphore(%arg11 : memref<!tpu.dma_semaphore, #tpu.memory_space<semaphore_mem>>) src(%dma_wait3A_61 : memref<5000xi32, #tpu.memory_space<hbm>>) dst(%dma_wait3A_60 : memref<5000xi32, #tpu.memory_space<vmem>>)
    %parallel_loop3A_62 = arith.constant 312 : i32
    %parallel_loop3A_63 = arith.constant 625 : i32
    %parallel_loop3A_64 = arith.constant 1 : i32
    %parallel_loop3A_65 = arith.constant -65536 : i32
    scf.for %parallel_loop3A_74 = %parallel_loop3A_62 to %parallel_loop3A_63 step %parallel_loop3A_64  : i32 {
      %parallel_loop3A_75 = arith.constant 16 : i32
      %parallel_loop3A_76 = arith.muli %parallel_loop3A_74, %parallel_loop3A_75 : i32
      %parallel_loop3A_77 = arith.index_cast %parallel_loop3A_76 : i32 to index
      %parallel_loop3A_78 = tpu.vector_load %arg7[%parallel_loop3A_77] {strides = array<i32>} : memref<10000xi32, #tpu.memory_space<vmem>>, vector<16xi32>,
      %parallel_loop3A_79 = arith.index_cast %parallel_loop3A_76 : i32 to index
      %parallel_loop3A_80 = tpu.vector_load %arg8[%parallel_loop3A_79] {strides = array<i32>} : memref<10000xi32, #tpu.memory_space<vmem>>, vector<16xi32>,
      %parallel_loop3A_81 = tpu.vector_load_idx %arg6[%parallel_loop3A_78] : memref<10000xi32, #tpu.memory_space<vmem>>[vector<16xi32>], vector<16xi32>,
      %parallel_loop3A_82 = tpu.vector_load_idx %arg6[%parallel_loop3A_80] : memref<10000xi32, #tpu.memory_space<vmem>>[vector<16xi32>], vector<16xi32>,
      %parallel_loop3A_83 = vector.broadcast %parallel_loop3A_65 : i32 to vector<16xi32>
      %parallel_loop3A_84 = arith.andi %parallel_loop3A_81, %parallel_loop3A_83 : vector<16xi32>
      %parallel_loop3A_85 = vector.bitcast %parallel_loop3A_84 : vector<16xi32> to vector<16xf32>
      %parallel_loop3A_86 = arith.constant 16 : i32
      %parallel_loop3A_87 = vector.broadcast %parallel_loop3A_86 : i32 to vector<16xi32>
      %parallel_loop3A_88 = arith.shli %parallel_loop3A_82, %parallel_loop3A_87 : vector<16xi32>
      %parallel_loop3A_89 = vector.bitcast %parallel_loop3A_88 : vector<16xi32> to vector<16xf32>
      %parallel_loop3A_90 = arith.addf %parallel_loop3A_85, %parallel_loop3A_89 : vector<16xf32>
      %parallel_loop3A_91 = arith.constant 0.000000e+00 : f32
      %parallel_loop3A_92 = vector.broadcast %parallel_loop3A_91 : f32 to vector<16xf32>
      %parallel_loop3A_93 = arith.subf %parallel_loop3A_92, %parallel_loop3A_90 : vector<16xf32>
      %parallel_loop3A_94 = math.exp %parallel_loop3A_93 : vector<16xf32>
      %parallel_loop3A_95 = arith.constant 1.000000e+00 : f32
      %parallel_loop3A_96 = vector.broadcast %parallel_loop3A_95 : f32 to vector<16xf32>
      %parallel_loop3A_97 = arith.addf %parallel_loop3A_96, %parallel_loop3A_94 : vector<16xf32>
      %parallel_loop3A_98 = arith.constant 1.000000e+00 : f32
      %parallel_loop3A_99 = vector.broadcast %parallel_loop3A_98 : f32 to vector<16xf32>
      %parallel_loop3A_100 = arith.divf %parallel_loop3A_99, %parallel_loop3A_97 : vector<16xf32>
      %parallel_loop3A_101 = arith.index_cast %parallel_loop3A_76 : i32 to index
      %parallel_loop3A_102 = tpu.vector_load %arg9[%parallel_loop3A_101] {strides = array<i32>} : memref<10000xf32, #tpu.memory_space<vmem>>, vector<16xf32>,
      tpu.vector_store %arg9[%parallel_loop3A_101], %parallel_loop3A_100 {strides = array<i32>} : memref<10000xf32, #tpu.memory_space<vmem>>, vector<16xf32>,
    } {sc.loop_unroll_factor = 8 : i64, sc.parallel_access}
    %dma_wait3A_66 = arith.constant 0 : i32
    %dma_wait3A_67 = tpu.memref_slice %arg9[%dma_wait3A_66] : memref<10000xf32, #tpu.memory_space<vmem>> -> memref<5000xf32, #tpu.memory_space<vmem>>
    %dma_wait3A_68 = tpu.memref_slice %arg5[%mul3A_2] : memref<320000xf32, #tpu.memory_space<hbm>> -> memref<5000xf32, #tpu.memory_space<hbm>>
    %dma_wait3A_69 = tpu.memref_slice %arg5[%mul3A_2] : memref<320000xf32, #tpu.memory_space<hbm>> -> memref<5000xf32, #tpu.memory_space<hbm>>
    %dma_wait3A_70 = arith.constant 0 : i32
    %dma_wait3A_71 = tpu.memref_slice %arg9[%dma_wait3A_70] : memref<10000xf32, #tpu.memory_space<vmem>> -> memref<5000xf32, #tpu.memory_space<vmem>>
    tpu.wait_dma2 semaphore(%arg12 : memref<!tpu.dma_semaphore, #tpu.memory_space<semaphore_mem>>) src(%dma_wait3A_71 : memref<5000xf32, #tpu.memory_space<vmem>>) dst(%dma_wait3A_69 : memref<5000xf32, #tpu.memory_space<hbm>>)
    %add3A_72 = arith.constant 5000 : i32
    %add3A_73 = arith.addi %mul3A_2, %add3A_72 : i32
    "tpu.region"() ({
      %run_scoped3A = tpu.sem_alloc : memref<!tpu.dma_semaphore, #tpu.memory_space<semaphore_mem>>
      %dma_start3A_74 = arith.constant 5000 : i32
      %dma_start3A_75 = tpu.memref_slice %arg9[%dma_start3A_74] : memref<10000xf32, #tpu.memory_space<vmem>> -> memref<5000xf32, #tpu.memory_space<vmem>>
      %dma_start3A_76 = tpu.memref_slice %arg5[%add3A_73] : memref<320000xf32, #tpu.memory_space<hbm>> -> memref<5000xf32, #tpu.memory_space<hbm>>
      %dma_start3A_77 = tpu.memref_slice %arg5[%add3A_73] : memref<320000xf32, #tpu.memory_space<hbm>> -> memref<5000xf32, #tpu.memory_space<hbm>>
      %dma_start3A_78 = arith.constant 5000 : i32
      %dma_start3A_79 = tpu.memref_slice %arg9[%dma_start3A_78] : memref<10000xf32, #tpu.memory_space<vmem>> -> memref<5000xf32, #tpu.memory_space<vmem>>
      tpu.enqueue_dma source(%dma_start3A_79 : memref<5000xf32, #tpu.memory_space<vmem>>) target(%dma_start3A_77 : memref<5000xf32, #tpu.memory_space<hbm>>) target_semaphore(%run_scoped3A : memref<!tpu.dma_semaphore, #tpu.memory_space<semaphore_mem>>)
      %dma_wait3A_80 = arith.constant 5000 : i32
      %dma_wait3A_81 = tpu.memref_slice %arg9[%dma_wait3A_80] : memref<10000xf32, #tpu.memory_space<vmem>> -> memref<5000xf32, #tpu.memory_space<vmem>>
      %dma_wait3A_82 = tpu.memref_slice %arg5[%add3A_73] : memref<320000xf32, #tpu.memory_space<hbm>> -> memref<5000xf32, #tpu.memory_space<hbm>>
      %dma_wait3A_83 = tpu.memref_slice %arg5[%add3A_73] : memref<320000xf32, #tpu.memory_space<hbm>> -> memref<5000xf32, #tpu.memory_space<hbm>>
      %dma_wait3A_84 = arith.constant 5000 : i32
      %dma_wait3A_85 = tpu.memref_slice %arg9[%dma_wait3A_84] : memref<10000xf32, #tpu.memory_space<vmem>> -> memref<5000xf32, #tpu.memory_space<vmem>>
      tpu.wait_dma2 semaphore(%run_scoped3A : memref<!tpu.dma_semaphore, #tpu.memory_space<semaphore_mem>>) src(%dma_wait3A_85 : memref<5000xf32, #tpu.memory_space<vmem>>) dst(%dma_wait3A_83 : memref<5000xf32, #tpu.memory_space<hbm>>)
      tpu.yield
    }) : () -> ()
    return
  }
}

module attributes {stable_mosaic.version = 14 : i64} {
  func.func @_matvec_body(%arg0: memref<10000x128xf32, #tpu.memory_space<vmem>>, %arg1: memref<2x128xf32, #tpu.memory_space<vmem>>, %arg2: memref<1xf32, #tpu.memory_space<smem>>, %arg3: memref<10000xi32, #tpu.memory_space<vmem>>) attributes {dimension_semantics = [], scalar_prefetch = 0 : i64, scratch_operands = 0 : i64, tpu.core_type = #tpu.core_type<tc>} {
    %get3A = arith.constant 0 : index
    %get3A_0 = arith.constant 0 : index
    %get3A_1 = vector.load %arg1[%get3A, %get3A_0] : memref<2x128xf32, #tpu.memory_space<vmem>>, vector<2x128xf32>
    %get3A_2 = arith.constant 0 : index
    %get3A_3 = arith.constant 0 : index
    %get3A_4 = vector.load %arg0[%get3A_2, %get3A_3] : memref<10000x128xf32, #tpu.memory_space<vmem>>, vector<10000x128xf32>
    %dot_general3A = arith.constant dense<0.000000e+00> : vector<2x10000xf32>
    %dot_general3A_5 = tpu.matmul %get3A_1, %get3A_4, %dot_general3A {dimension_numbers = #tpu.dot_dimension_numbers<[1], [1], [0], [0], [0, 0, 1, 0], [], []>, transpose_lhs_hint = false} : vector<2x128xf32>, vector<10000x128xf32>, vector<2x10000xf32> -> vector<2x10000xf32>
    %slice3A = vector.extract_strided_slice %dot_general3A_5 {offsets = [0, 0], sizes = [1, 10000], strides = [1, 1]} : vector<2x10000xf32> to vector<1x10000xf32>
    %squeeze3A = vector.shape_cast %slice3A : vector<1x10000xf32> to vector<10000xf32>
    %get3A_6 = arith.constant 0 : index
    %get3A_7 = memref.load %arg2[%get3A_6] : memref<1xf32, #tpu.memory_space<smem>>
    %add3A = vector.broadcast %get3A_7 : f32 to vector<10000xf32>
    %add3A_8 = arith.addf %squeeze3A, %add3A : vector<10000xf32>
    %convert_element_type3A = arith.truncf %add3A_8 : vector<10000xf32> to vector<10000xbf16>
    %slice3A_9 = vector.extract_strided_slice %dot_general3A_5 {offsets = [1, 0], sizes = [1, 10000], strides = [1, 1]} : vector<2x10000xf32> to vector<1x10000xf32>
    %squeeze3A_10 = vector.shape_cast %slice3A_9 : vector<1x10000xf32> to vector<10000xf32>
    %convert_element_type3A_11 = arith.truncf %squeeze3A_10 : vector<10000xf32> to vector<10000xbf16>
    %bitcast_convert_type3A = tpu.bitcast %convert_element_type3A : vector<10000xbf16> -> vector<10000xi16>
    %convert_element_type3A_12 = arith.extui %bitcast_convert_type3A : vector<10000xi16> to vector<10000xi32>
    %bitcast_convert_type3A_13 = tpu.bitcast %convert_element_type3A_11 : vector<10000xbf16> -> vector<10000xi16>
    %convert_element_type3A_14 = arith.extui %bitcast_convert_type3A_13 : vector<10000xi16> to vector<10000xi32>
    %shift_left3A = arith.constant 16 : i32
    %shift_left3A_15 = vector.broadcast %shift_left3A : i32 to vector<10000xi32>
    %shift_left3A_16 = arith.shli %convert_element_type3A_12, %shift_left3A_15 : vector<10000xi32>
    %or3A = arith.ori %shift_left3A_16, %convert_element_type3A_14 : vector<10000xi32>
    %swap3A = arith.constant 0 : index
    %swap3A_17 = vector.load %arg3[%swap3A] : memref<10000xi32, #tpu.memory_space<vmem>>, vector<10000xi32>
    tpu.vector_store %arg3[%swap3A], %or3A {strides = array<i32>} : memref<10000xi32, #tpu.memory_space<vmem>>, vector<10000xi32>,
    return
  }
}

</mosaic_0001>

<sc_bundles>
// kernel: kernel.4.cloned.1.call-start
scs
__scs_entry_jumppad:
0x0: {  	(pc) =	sbr.rel $0x88, $3  }
0x1: {  	(tag) =	ssettag $0x0;
	lr =	simm.s32 $0x1  }
0x2: {  	[smem:$0x3F9C] =	sst lr;
	_ =	strace $0xD0000000  }
0x3: {  	_ = 	snop  }
0x4: {  	_ = 	snop  }
0x5: {  	_ = 	snop  }
0x6: {  	_ = 	snop  }
0x7: {  	_ = 	snop  }
__scs_overlays_trampoline_lowered:
0x8: {  	[smem:$0x3FAB] =	sst s0  }
0x9: {  	[smem:$0x3FAC] =	sst s1  }
0xa: {  	[smem:$0x3FAD] =	sst s2  }
0xb: {  	[smem:$0x3FAE] =	sst s3  }
0xc: {  	[smem:$0x3FAF] =	sst s4  }
0xd: {  	[smem:$0x3FB0] =	sst s5  }
0xe: {  	[smem:$0x3FB1] =	sst s6  }
0xf: {  	[smem:$0x3FB2] =	sst s7  }
0x10: {  	[smem:$0x3FB3] =	sst s8  }
0x11: {  	[smem:$0x3FB4] =	sst s9;
	s0 =	simm.s32 @!p0 $0x0  }
0x12: {  	s1 =	sld [smem:$0x3F9A];
	s0 =	simm.s32 @p0 $0x1  }
0x13: {  	[smem:$0x3FB5] =	sst s0;
	s0 =	simm.s32 @!p1 $0x0  }
0x14: {  	s2 =	sld [smem:$0x3F99];
	s0 =	simm.s32 @p1 $0x1  }
0x15: {  	[smem:$0x3FB6] =	sst s0;
	s0 =	simm.s32 @!p2 $0x0  }
0x16: {  	s3 =	sld [smem:$0x3FDB];
	s0 =	simm.s32 @p2 $0x1  }
0x17: {  	s4 =	simm.s32 $0x1BF5;
	[smem:$0x3FB8] =	sst s0  }
0x18: {  	s0 =	sld [smem:$0x3F9B];
	_ =	swait.ge [sflag:s4], $0x0  }
0x19: {  	s7 =	sld [smem:$0x3F9C]  }
0x1a: {  	s8 =	sadd.s32 $0xFFFFE003, lr  }
0x1b: {  	s9 =	sadd.s32 $0xFFFFFEF7, lr;
	s5 =	simm.s32 $0xFFFFFFFF;
	p2 =	slt.u32 s8, $0xFFFFF086  }
0x1c: {  	p1 =	slt.u32 s9, $0xF7A;
	s5 =	simm.s32 @!p2 $0x0  }
0x1d: {  	s5 =	simm.s32 @p1 $0x1;
	p0 =	seq.s32 s7, s2  }
0x1e: {  	s7 =	smul.u32 @!p0 $0xF7A, s2;
	p2 =	seq.s32 @!p0 s5, $0x0  }
0x1f: {  	s9 =	smul.u32 $0xF7A, s1;
	s8 =	simm.s32 @!p0 $0x1BF5;
	p2 =	por !p2, p0  }
0x20: {  	[sflag:s8] =	ssyncset.s32 @!p0 $0xFFFFF086;
	s6 =	sadd.s32 @!p0 s3, s7;
	s7 =	simm.s32 @!p0 $0x108  }
0x21: {  	s3 =	sadd.s32 s3, s9;
	s6 =	sadd.s32 @!p0 $0x88, s6;
	s7 =	simm.s32 @p2 $0x1082  }
0x22: {  	[simem:s7], [sflag:s8] =	dma.local @!p0 [hbm:s6], $0xF7A  }
0x23: {  	s9 =	sor.u32 $0xD0000000, s2;
	s6 =	simm.s32 $0x108;
	_ =	swait.ge @!p0 [sflag:s8], $0x0  }
0x24: {  	s3 =	sadd.s32 $0x88, s3;
	s6 =	simm.s32 @!p1 $0x1082;
	[sflag:s4] =	ssyncset.s32 $0xFFFFF086  }
0x25: {  	[simem:s6], [sflag:s4] =	dma.local [hbm:s3], $0xF7A  }
0x26: {  	[smem:$0x3F9C] =	sst s1;
	(tag) =	ssettag s2;
	_ =	strace s9  }
0x27: {  	s1 =	sld [smem:$0x3FAC]  }
0x28: {  	s2 =	sld [smem:$0x3FAD]  }
0x29: {  	s4 =	sld [smem:$0x3FAF]  }
0x2a: {  	p0 =	seq.s32 s5, $0x0;
	s5 =	sld [smem:$0x3FB0]  }
0x2b: {  	s6 =	sld [smem:$0x3FB1]  }
0x2c: {  	s7 =	sld [smem:$0x3FB2]  }
0x2d: {  	s3 =	simm.s32 $0x108;
	s8 =	sld [smem:$0x3FB3]  }
0x2e: {  	s3 =	simm.s32 @!p0 $0x1082;
	s9 =	sld [smem:$0x3FB4]  }
0x2f: {  	lr =	sadd.s32 s0, s3;
	s0 =	sld [smem:$0x3FAB]  }
0x30: {  	s3 =	sld [smem:$0x3FAE]  }
0x31: {  	[smem:$0x3FB7] =	sst s10  }
0x32: {  	s10 =	sld [smem:$0x3FB5];
	_ =	sdelay $0x3  }
0x33: {  	p0 =	seq.s32 s10, $0x1;
	s10 =	sld [smem:$0x3FB7];
	_ =	sdelay $0x3  }
0x34: {  	[smem:$0x3FB7] =	sst s10  }
0x35: {  	s10 =	sld [smem:$0x3FB6];
	_ =	sdelay $0x3  }
0x36: {  	p1 =	seq.s32 s10, $0x1;
	s10 =	sld [smem:$0x3FB7];
	_ =	sdelay $0x3  }
0x37: {  	[smem:$0x3FB7] =	sst s10  }
0x38: {  	s10 =	sld [smem:$0x3FB8]  }
0x39: {  	_ = 	snop;
	(pc) =	sbr.ind lr, $3  }
0x3a: {  	_ = 	snop  }
0x3b: {  	_ = 	snop  }
0x3c: {  	p2 =	seq.s32 s10, $0x1;
	s10 =	sld [smem:$0x3FB7]  }
0x3d: {  	_ =	shalt  }
0x3e: {  	_ =	shalt  }
0x3f: {  	_ =	shalt  }
0x40: {  	_ =	shalt  }
0x41: {  	_ =	shalt  }
0x42: {  	_ =	shalt  }
0x43: {  	_ =	shalt  }
0x44: {  	_ =	shalt  }
0x45: {  	_ =	shalt  }
0x46: {  	_ =	shalt  }
0x47: {  	_ =	shalt  }
0x48: {  	_ =	shalt  }
0x49: {  	_ =	shalt  }
0x4a: {  	_ =	shalt  }
0x4b: {  	_ =	shalt  }
0x4c: {  	_ =	shalt  }
0x4d: {  	_ =	shalt  }
0x4e: {  	_ =	shalt  }
0x4f: {  	_ =	shalt  }
0x50: {  	_ =	shalt  }
0x51: {  	_ =	shalt  }
0x52: {  	_ =	shalt  }
0x53: {  	_ =	shalt  }
0x54: {  	_ =	shalt  }
0x55: {  	_ =	shalt  }
0x56: {  	_ =	shalt  }
0x57: {  	_ =	shalt  }
0x58: {  	_ =	shalt  }
0x59: {  	_ =	shalt  }
0x5a: {  	_ =	shalt  }
0x5b: {  	_ =	shalt  }
0x5c: {  	_ =	shalt  }
0x5d: {  	_ =	shalt  }
0x5e: {  	_ =	shalt  }
0x5f: {  	_ =	shalt  }
0x60: {  	_ =	shalt  }
0x61: {  	_ =	shalt  }
0x62: {  	_ =	shalt  }
0x63: {  	_ =	shalt  }
0x64: {  	_ =	shalt  }
0x65: {  	_ =	shalt  }
0x66: {  	_ =	shalt  }
0x67: {  	_ =	shalt  }
0x68: {  	_ =	shalt  }
0x69: {  	_ =	shalt  }
0x6a: {  	_ =	shalt  }
0x6b: {  	_ =	shalt  }
0x6c: {  	_ =	shalt  }
0x6d: {  	_ =	shalt  }
0x6e: {  	_ =	shalt  }
0x6f: {  	_ =	shalt  }
0x70: {  	_ =	shalt  }
0x71: {  	_ =	shalt  }
0x72: {  	_ =	shalt  }
0x73: {  	_ =	shalt  }
0x74: {  	_ =	shalt  }
0x75: {  	_ =	shalt  }
0x76: {  	_ =	shalt  }
0x77: {  	_ =	shalt  }
0x78: {  	_ =	shalt  }
0x79: {  	_ =	shalt  }
0x7a: {  	_ =	shalt  }
0x7b: {  	_ =	shalt  }
0x7c: {  	_ =	shalt  }
0x7d: {  	_ =	shalt  }
0x7e: {  	_ =	shalt  }
0x7f: {  	_ =	shalt  }
0x80: {  	_ =	shalt  }
0x81: {  	_ =	shalt  }
0x82: {  	_ =	shalt  }
0x83: {  	_ =	shalt  }
0x84: {  	_ =	shalt  }
0x85: {  	_ =	shalt  }
0x86: {  	_ =	shalt  }
0x87: {  	_ =	shalt  }
.Lfunc_end0:
.L_simem_size_0:
called_computation_lowered:
.L_overlay_start_0:
0x88: {  	s2 =	sld [smem:$0x3FD9]  }
0x89: {  	s3 =	sld [smem:$0x3FFE];
	_ =	sdelay $0x1  }
0x8a: {  	s1 =	srdreg.scid  }
0x8b: {  	s0 =	sand.u32 $0x1, s1  }
0x8c: {  	s17 =	sshll.u32 s0, $0xA;
	s2 =	sadd.s32 s3, s2  }
0x8d: {  	s2 =	sadd.s32 s2, s17  }
0x8e: {  	[smem:$0x3FC3] =	sst s2  }
0x8f: {  	_ = 	snop  }
0x90: {  	s2 =	sld [smem:$0x3FC8]  }
0x91: {  	s18 =	sld [smem:$0x3FC7]  }
0x92: {  	s4 =	sld [smem:$0x3FD0];
	(tm) =	ssettm $0x1  }
0x93: {  	s5 =	sld [smem:$0x3FFB];
	_ =	sdelay $0x3  }
0x94: {  	_ =	strace s5  }
0x95: {  	s5 =	sld [smem:$0x3FFC];
	_ =	sdelay $0x3  }
0x96: {  	_ =	strace s5  }
0x97: {  	s5 =	sld [smem:$0x3FFD];
	_ =	sdelay $0x3  }
0x98: {  	_ =	strace s5  }
0x99: {  	_ =	strace $0x8FFFFFFF  }
0x9a: {  	s19 =	sld [smem:$0x3FDB];
	_ =	sdelay $0x1  }
0x9b: {  	s6 =	simm.s32 $_scs_section_size  }
0x9c: {  	s7 =	simm.s32 $_size__tile_overlayer_lowered;
	s8 =	simm.s32 $_tile_overlayer_lowered  }
0x9d: {  	s22 =	simm.s32 $0x1BFF;
	s21 =	sshll.u32 s8, $0x1;
	s5 =	sadd.s32 s6, s19  }
0x9e: {  	s9 =	simm.s32 $0x0;
	s20 =	sshll.u32 s7, $0x1;
	s7 =	sadd.s32 s21, s5  }
0x9f: {  	[timem:s9], [sflag:s22] =	dma.local [hbm:s7], s20  }
0xa0: {  	_ =	swait.ge [sflag:s22], s20  }
0xa1: {  	s6 =	ssub.s32 $0x0, s20;
	[sflag:s22] =	ssyncset.done $0x0  }
0xa2: {  	[sflag:s22] =	ssyncadd.s32 s6;
	_ =	sdelay $0x1  }
0xa3: {  	s23 =	simm.s32 $0x1B8B  }
0xa4: {  	_ =	swait.ge [sflag:s23], $0x1  }
0xa5: {  	[sflag:s23] =	ssyncset.done $0x0  }
0xa6: {  	s25 =	simm.s32 $0x1B8E;
	s24 =	sld [smem:$0x3FFE];
	[sflag:s23] =	ssyncadd.s32 $0xFFFFFFFF  }
0xa7: {  	s26 =	simm.s32 $execute0_lowered;
	[smem:$0x3FD2] =	sst s25  }
0xa8: {  	s7 =	sshll.u32 s26, $0x1;
	_ =	strace $0x80000046;
	[dreg:$0x1] =	wrdreg $0xFFFFFFFF  }
0xa9: {  	s28 =	simm.s32 $_size_execute0_lowered;
	s5 =	sadd.s32 s5, s7;
	[dreg:$0x0] =	wrdreg $0x0  }
0xaa: {  	s7 =	sshll.u32 s28, $0x1;
	[dreg:$0x2] =	wrdreg s5  }
0xab: {  	[dreg:$0x3] =	wrdreg s7  }
0xac: {  	[dreg:$0x4] =	wrdreg $0xC0  }
0xad: {  	_ =	task [dreg:s9], $0x5FFFF  }
0xae: {  	[dreg:$0x1] =	wrdreg $0xFFFFFFFF  }
0xaf: {  	[dreg:$0x0] =	wrdreg $0x60  }
0xb0: {  	[dreg:$0x2] =	wrdreg s4  }
0xb1: {  	[dreg:$0x3] =	wrdreg s2  }
0xb2: {  	[dreg:$0x4] =	wrdreg s18  }
0xb3: {  	[dreg:$0x5] =	wrdreg s24  }
0xb4: {  	[dreg:$0x6] =	wrdreg $0x9  }
0xb5: {  	_ =	task.clear_ibuf [dreg:s9], $0x7FFFF;
	_ =	strace $0x90000046  }
0xb6: {  	s29 =	simm.s32 $0x9;
	_ =	strace $0x80000048  }
0xb7: {  	_ =	swait.ge [sflag:s29], $0x1  }
0xb8: {  	[sflag:s29] =	ssyncadd.s32 $0xFFFFFFFF  }
0xb9: {  	_ =	strace $0x90000048  }
0xba: {  	_ =	sfence  }
0xbb: {  	s30 =	sld [smem:$0x0];
	_ =	sdelay $0x2  }
0xbc: {  	s31 =	sshll.u32 s1, $0xD;
	s1 =	sshrl.u32 s1, $0x2  }
0xbd: {  	s3 =	sand.u32 $0x4000, s31;
	s1 =	sadd.s32 s1, s30  }
0xbe: {  	s0 =	sor.u32 s3, s0;
	s1 =	sshll.u32 s1, $0x11  }
0xbf: {  	s0 =	sor.u32 s1, s0  }
0xc0: {  	s0 =	sadd.s32 $0x8F2B, s0  }
0xc1: {  	[sflag:s0] =	ssyncadd.remote.s32 $0x1  }
0xc2: {  	_ =	sfence.sel $0xFFFF  }
0xc3: {  	[dreg:$0x0] =	wrdreg $0xFFFFFFFF;
	(pc) =	sbr.abs _section_cstart, $3  }
0xc4: {  	[dreg:$0x1] =	wrdreg $0xFFFFFFFF  }
0xc5: {  	_ =	task.clear_ibuf [dreg:s9], $0x2FFFF;
	_ =	strace $0x9FFFFFFF  }
0xc6: {  	(tm) =	ssettm $0x7FFFFFFF  }
0xc7: {  	_ =	shalt  }
tec
execute0_lowered:
.L_overlay_start_1:
0x0: {  	(tag) =	ssettag $0x1  }
0x1: {  	s1 =	rddreg [dreg:$0x0]  }
0x2: {  	s6 =	rddreg [dreg:$0x1]  }
0x3: {  	s7 =	rddreg [dreg:$0x2];
	s2 =	srdreg.scid  }
0x4: {  	s0 =	stileid.u32;
	s4 =	rddreg [dreg:$0x3]  }
0x5: {  	s3 =	simm.s32 $0x0;
	s12 =	simm.s32 $0x4F00;
	s13 =	simm.s32 $0x3B08  }
0x6: {  	s14 =	simm.s32 $0x6288;
	s15 =	simm.s32 $0x1;
	s16 =	simm.s32 $0x7680  }
0x7: {  	s17 =	simm.s32 $0x2;
	s18 =	simm.s32 $0x3;
	s19 =	simm.s32 $0x8A08  }
0x8: {  	s20 =	simm.s32 $0x4;
	s5 =	sand.u32 $0x1, s2;
	s8 =	sshll.u32 s0, $0x1  }
0x9: {  	s21 =	simm.s32 $0x0;
	s2 =	rddreg [dreg:$0x4];
	s8 =	sor.u32 s5, s8  }
0xa: {  	[smem:$0x7FF] =	sst s3;
	s5 =	ssub.s32 $0x2, s5;
	s8 =	smul.u32 $0x2710, s8  }
0xb: {  	s9 =	sadd.s32 $0xA00, s4;
	_ =	strace $0x80000047;
	s31 =	sshrl.u32 s5, $0x1  }
0xc: {  	s11 =	ssub.s32 s5, s31;
	s10 =	sadd.s32 $0x1388, s8;
	s8 =	sshrl.u32 s8, $0x3  }
0xd: {  	s10 =	sshrl.u32 s10, $0x3;
	s4 =	sadd.s32 s6, s8;
	s5 =	sadd.s32 s7, s8  }
0xe: {  	s8 =	sadd.s32 s9, s8;
	s6 =	sadd.s32 s6, s10;
	s7 =	sadd.s32 s7, s10  }
0xf: {  	s9 =	sadd.s32 s9, s10;
	s10 =	smax.u32 s11, $0x1;
	s11 =	simm.s32 $0x2780  }
.LBB2_1:
0x10: {  	[tilespmem:s3], [sflag:$0x1] =	stream.linear.gather [hbm4b:s1+s3], $0x2780, $0x38;
	[tilespmem:$0x9E00] =	vst v63  }
0x11: {  	_ = 	snop  }
0x12: {  	[tilespmem:s11], [sflag:$0x1] =	stream.linear.gather [hbm4b:s4+s3], $0x1388, $0x38;
	[tilespmem:$0x9E00] =	vst v63  }
0x13: {  	_ = 	snop  }
0x14: {  	[tilespmem:s12], [sflag:$0x1] =	stream.linear.gather [hbm4b:s5+s3], $0x1388, $0x38;
	[tilespmem:$0x9E00] =	vst v63  }
0x15: {  	_ = 	snop  }
0x16: {  	[tilespmem:s13], [sflag:$0x2] =	stream.linear.gather [hbm4b:s6+s3], $0x1388, $0x38;
	[tilespmem:$0x9E00] =	vst v63  }
0x17: {  	_ = 	snop  }
0x18: {  	[tilespmem:s14], [sflag:$0x2] =	stream.linear.gather [hbm4b:s7+s3], $0x1388, $0x38;
	[tilespmem:$0x9E00] =	vst v63  }
0x19: {  	_ =	swait.ge [sflag:s15], $0x2780  }
0x1a: {  	[sflag:s15] =	ssyncset.done $0x0  }
0x1b: {  	[sflag:s15] =	ssyncadd.s32 $0xFFFFD880  }
0x1c: {  	_ =	swait.ge [sflag:s15], $0x1388  }
0x1d: {  	[sflag:s15] =	ssyncset.done $0x0  }
0x1e: {  	[sflag:s15] =	ssyncadd.s32 $0xFFFFEC78  }
0x1f: {  	_ =	swait.ge [sflag:s15], $0x1388  }
0x20: {  	[sflag:s15] =	ssyncset.done $0x0  }
0x21: {  	s22 =	simm.s32 $0x27C0;
	[sflag:s15] =	ssyncadd.s32 $0xFFFFEC78  }
0x22: {  	s23 =	simm.s32 $0x4F40;
	v0 =	vld [tilespmem:s22+$0x30]  }
0x23: {  	v1 =	vld [tilespmem:s23+$0x30]  }
0x24: {  	v2 =	vld [tilespmem:s23+$0xFFFFFFC0]  }
0x25: {  	v3 =	vld [tilespmem:s22+$0xFFFFFFD0]  }
0x26: {  	v4 =	vld [tilespmem:s23+$0xFFFFFFD0]  }
0x27: {  	v5 =	vld [tilespmem:s22+$0xFFFFFFE0]  }
0x28: {  	v6 =	vld [tilespmem:s23+$0xFFFFFFE0]  }
0x29: {  	v7 =	vld [tilespmem:s22+$0xFFFFFFF0]  }
0x2a: {  	v8 =	vld [tilespmem:s23+$0xFFFFFFF0]  }
0x2b: {  	v9 =	vld [tilespmem:s22+$0x0]  }
0x2c: {  	v0 =	vld.idx.msk [tilespmem:v0+s3+$0x0], $0xffff  }
0x2d: {  	v1 =	vld.idx.msk [tilespmem:v1+s3+$0x0], $0xffff  }
0x2e: {  	v10 =	vld [tilespmem:s23+$0x0]  }
0x2f: {  	v11 =	vld [tilespmem:s22+$0x10]  }
0x30: {  	v12 =	vld [tilespmem:s23+$0x10]  }
0x31: {  	v15 =	vld [tilespmem:s22+$0xFFFFFFC0]  }
0x32: {  	v2 =	vld.idx.msk [tilespmem:v2+s3+$0x0], $0xffff;
	v0 =	vand.u32 $0xFFFF0000, v0;
	v1 =	vshll.u32 v1, $0x10  }
0x33: {  	v3 =	vld.idx.msk [tilespmem:v3+s3+$0x0], $0xffff;
	v0 =	vadd.f32 v1, v0  }
0x34: {  	v1 =	vld.idx.msk [tilespmem:v4+s3+$0x0], $0xffff  }
0x35: {  	v4 =	vld.idx.msk [tilespmem:v5+s3+$0x0], $0xffff;
	v0 =	vsub.f32 $0.0e+00, v0  }
0x36: {  	v5 =	vld.idx.msk [tilespmem:v6+s3+$0x0], $0xffff  }
0x37: {  	v6 =	vld.idx.msk [tilespmem:v7+s3+$0x0], $0xffff;
	v0 =	vmul.f32 $1.442695020e+00, v0  }
0x38: {  	v7 =	vld.idx.msk [tilespmem:v8+s3+$0x0], $0xffff  }
0x39: {  	v8 =	vld.idx.msk [tilespmem:v15+s3+$0x0], $0xffff;
	(erf) = vpow2.f32 v0  }
0x3a: {  	v14 =	vld [tilespmem:s23+$0x20]  }
0x3b: {  	s31 =	simm.s32 $0x2840;
	v13 =	vld [tilespmem:s22+$0x20]  }
0x3c: {  	v54 =	vld [tilespmem:s31+$0x30];
	v3 =	vand.u32 $0xFFFF0000, v3  }
0x3d: {  	v2 =	vshll.u32 v2, $0x10;
	v1 =	vshll.u32 v1, $0x10;
	v4 =	vand.u32 $0xFFFF0000, v4;
	v0 =	vld.idx.msk [tilespmem:v9+s3+$0x0], $0xffff  }
0x3e: {  	v8 =	vand.u32 $0xFFFF0000, v8;
	v5 =	vshll.u32 v5, $0x10;
	v9 =	vld.idx.msk [tilespmem:v10+s3+$0x0], $0xffff;
	v1 =	vadd.f32 v1, v3  }
0x3f: {  	v10 =	vld.idx.msk [tilespmem:v11+s3+$0x0], $0xffff;
	v4 =	vadd.f32 v5, v4;
	v5 =	vand.u32 $0xFFFF0000, v6;
	v6 =	vshll.u32 v7, $0x10  }
0x40: {  	s22 =	simm.s32 $0x4FC0;
	v11 =	vld.idx.msk [tilespmem:v12+s3+$0x0], $0xffff;
	v2 =	vadd.f32 v2, v8  }
0x41: {  	v8 =	vld [tilespmem:s22+$0x30];
	v5 =	vadd.f32 v6, v5;
	v1 =	vsub.f32 $0.0e+00, v1  }
0x42: {  	v3 =	vld.idx.msk [tilespmem:v14+s3+$0x0], $0xffff;
	v2 =	vsub.f32 $0.0e+00, v2;
	v4 =	vsub.f32 $0.0e+00, v4;
	v6 =	vpop (erf)  }
0x43: {  	v53 =	vld.idx.msk [tilespmem:v13+s3+$0x0], $0xffff;
	v5 =	vsub.f32 $0.0e+00, v5;
	v1 =	vmul.f32 $1.442695020e+00, v1;
	v6 =	vadd.f32 $1.000000000e+00, v6  }
0x44: {  	v2 =	vmul.f32 $1.442695020e+00, v2;
	v0 =	vand.u32 $0xFFFF0000, v0;
	v9 =	vshll.u32 v9, $0x10  }
0x45: {  	v55 =	vld [tilespmem:s31+$0xFFFFFFD0];
	v4 =	vmul.f32 $1.442695020e+00, v4;
	v0 =	vadd.f32 v9, v0;
	(erf) = vrcp.f32 v6  }
0x46: {  	v56 =	vld [tilespmem:s22+$0xFFFFFFD0];
	v10 =	vand.u32 $0xFFFF0000, v10;
	v11 =	vshll.u32 v11, $0x10;
	(erf) = vpow2.f32 v2  }
0x47: {  	v3 =	vshll.u32 v3, $0x10;
	v9 =	vld.idx.msk [tilespmem:v54+s3+$0x0], $0xffff;
	v0 =	vsub.f32 $0.0e+00, v0;
	(erf) = vpow2.f32 v1  }
0x48: {  	v7 =	vld [tilespmem:s22+$0xFFFFFFC0];
	v2 =	vadd.f32 v11, v10;
	v1 =	vand.u32 $0xFFFF0000, v53;
	(erf) = vpow2.f32 v4  }
0x49: {  	v8 =	vld.idx.msk [tilespmem:v8+s3+$0x0], $0xffff;
	v1 =	vadd.f32 v3, v1  }
0x4a: {  	v16 =	vld [tilespmem:s31+$0xFFFFFFE0];
	v0 =	vmul.f32 $1.442695020e+00, v0;
	v4 =	vmul.f32 $1.442695020e+00, v5;
	v2 =	vsub.f32 $0.0e+00, v2  }
0x4b: {  	v17 =	vld [tilespmem:s31+$0xFFFFFFF0];
	v1 =	vsub.f32 $0.0e+00, v1  }
0x4c: {  	v57 =	vld [tilespmem:s22+$0x10];
	v2 =	vmul.f32 $1.442695020e+00, v2;
	(erf) = vpow2.f32 v4;
	v4 =	vand.u32 $0xFFFF0000, v9  }
0x4d: {  	v58 =	vld [tilespmem:s22+$0x20];
	(erf) = vpow2.f32 v0;
	v1 =	vmul.f32 $1.442695020e+00, v1  }
0x4e: {  	v15 =	vld.idx.msk [tilespmem:v56+s3+$0x0], $0xffff;
	v8 =	vshll.u32 v8, $0x10;
	(erf) = vpow2.f32 v2;
	v0 =	vpop (erf)  }
0x4f: {  	v14 =	vld.idx.msk [tilespmem:v55+s3+$0x0], $0xffff;
	(erf) = vpow2.f32 v1;
	v1 =	vadd.f32 v8, v4;
	v4 =	vpop (erf)  }
0x50: {  	v6 =	vld [tilespmem:s22+$0xFFFFFFE0];
	v4 =	vadd.f32 $1.000000000e+00, v4;
	v9 =	vpop (erf)  }
0x51: {  	v7 =	vld.idx.msk [tilespmem:v7+s3+$0x0], $0xffff;
	v18 =	vpop (erf)  }
0x52: {  	v3 =	vld [tilespmem:s22+$0xFFFFFFF0];
	(erf) = vrcp.f32 v4;
	v4 =	vadd.f32 $1.000000000e+00, v18  }
0x53: {  	v8 =	vld [tilespmem:s31+$0xFFFFFFC0];
	v1 =	vsub.f32 $0.0e+00, v1;
	v9 =	vadd.f32 $1.000000000e+00, v9  }
0x54: {  	v5 =	vld [tilespmem:s31+$0x0]  }
0x55: {  	v10 =	vld [tilespmem:s22+$0x0];
	v1 =	vmul.f32 $1.442695020e+00, v1;
	(erf) = vrcp.f32 v9  }
0x56: {  	v11 =	vld [tilespmem:s31+$0x10];
	(erf) = vrcp.f32 v4;
	v4 =	vpop (erf)  }
0x57: {  	v2 =	vld [tilespmem:s31+$0x20];
	(erf) = vpow2.f32 v1;
	v1 =	vadd.f32 $1.000000000e+00, v4  }
0x58: {  	v6 =	vld.idx.msk [tilespmem:v6+s3+$0x0], $0xffff  }
0x59: {  	v9 =	vld.idx.msk [tilespmem:v16+s3+$0x0], $0xffff;
	v4 =	vpop (erf)  }
0x5a: {  	v61 =	vld.idx.msk [tilespmem:v3+s3+$0x0], $0xffff;
	v4 =	vadd.f32 $1.000000000e+00, v4;
	v60 =	vpop (erf)  }
0x5b: {  	v62 =	vld.idx.msk [tilespmem:v8+s3+$0x0], $0xffff;
	v8 =	vshll.u32 v15, $0x10;
	v3 =	vadd.f32 $1.000000000e+00, v60;
	(erf) = vrcp.f32 v1;
	v1 =	vpop (erf)  }
0x5c: {  	(erf) = vrcp.f32 v4;
	v4 =	vld.idx.msk [tilespmem:v5+s3+$0x0], $0xffff;
	v5 =	vand.u32 $0xFFFF0000, v14;
	v1 =	vadd.f32 $1.000000000e+00, v1  }
0x5d: {  	v59 =	vld.idx.msk [tilespmem:v17+s3+$0x0], $0xffff;
	(erf) = vrcp.f32 v3;
	v5 =	vadd.f32 v8, v5  }
0x5e: {  	v3 =	vld.idx.msk [tilespmem:v10+s3+$0x0], $0xffff;
	v8 =	vand.u32 $0xFFFF0000, v9;
	v9 =	vshll.u32 v6, $0x10;
	v10 =	vpop (erf);
	(erf) = vrcp.f32 v1  }
0x5f: {  	s23 =	simm.s32 $0x76C0  }
0x60: {  	[tilespmem:s23+$0x30] =	vst v0;
	v0 =	vld.idx.msk [tilespmem:v11+s3+$0x0], $0xffff;
	v11 =	vshll.u32 v61, $0x10  }
0x61: {  	v2 =	vld.idx.msk [tilespmem:v2+s3+$0x0], $0xffff;
	v6 =	vshll.u32 v7, $0x10;
	v7 =	vadd.f32 v9, v8;
	[tilespmem:s23+$0xFFFFFFC0] =	vst v10;
	v9 =	vpop (erf)  }
0x62: {  	v8 =	vsub.f32 $0.0e+00, v5;
	v5 =	vand.u32 $0xFFFF0000, v59;
	v1 =	vld.idx.msk [tilespmem:v57+s3+$0x0], $0xffff;
	[tilespmem:s23+$0xFFFFFFD0] =	vst v9;
	v63 =	vpop (erf)  }
0x63: {  	s24 =	simm.s32 $0x8;
	s25 =	simm.s32 $0x28C0;
	v10 =	vand.u32 $0xFFFF0000, v62;
	v7 =	vsub.f32 $0.0e+00, v7;
	v9 =	vadd.f32 v11, v5;
	v5 =	vld.idx.msk [tilespmem:v58+s3+$0x0], $0xffff;
	v11 =	vpop (erf);
	[tilespmem:s23+$0xFFFFFFE0] =	vst v63  }
.LBB2_2:
0x64: {  	v12 =	vld [tilespmem:s25+$0x30];
	v6 =	vadd.f32 v6, v10;
	v15 =	vand.u32 $0xFFFF0000, v4;
	v10 =	vadd.f32 $1.000000000e+00, v11;
	s22 =	sadd.s32 $0x80, s22;
	v11 =	vpop (erf)  }
0x65: {  	s24 =	sadd.s32 $0x8, s24;
	v8 =	vmul.f32 $1.442695020e+00, v8;
	v3 =	vshll.u32 v3, $0x10;
	v13 =	vld [tilespmem:s22+$0x30];
	v9 =	vsub.f32 $0.0e+00, v9;
	[tilespmem:s23+$0xFFFFFFF0] =	vst v11;
	v11 =	vpop (erf)  }
0x66: {  	p0 =	slt.u32 s24, $0x130;
	v3 =	vadd.f32 v3, v15;
	v0 =	vand.u32 $0xFFFF0000, v0;
	v14 =	vld [tilespmem:s22+$0xFFFFFFC0];
	(erf) = vrcp.f32 v10;
	[tilespmem:s23+$0x0] =	vst v11;
	v4 =	vpop (erf)  }
0x67: {  	v7 =	vmul.f32 $1.442695020e+00, v7;
	v6 =	vsub.f32 $0.0e+00, v6;
	v1 =	vshll.u32 v1, $0x10;
	v10 =	vld [tilespmem:s25+$0xFFFFFFD0];
	[tilespmem:s23+$0x10] =	vst v4;
	v4 =	vpop (erf)  }
0x68: {  	v3 =	vsub.f32 $0.0e+00, v3;
	v0 =	vadd.f32 v1, v0;
	v1 =	vand.u32 $0xFFFF0000, v2;
	v11 =	vld [tilespmem:s22+$0xFFFFFFD0];
	[tilespmem:s23+$0x20] =	vst v4  }
0x69: {  	v4 =	vmul.f32 $1.442695020e+00, v6;
	v6 =	vmul.f32 $1.442695020e+00, v9;
	v5 =	vshll.u32 v5, $0x10;
	v2 =	vld [tilespmem:s25+$0xFFFFFFE0]  }
0x6a: {  	v3 =	vmul.f32 $1.442695020e+00, v3;
	v0 =	vsub.f32 $0.0e+00, v0;
	v1 =	vadd.f32 v5, v1;
	v9 =	vld [tilespmem:s22+$0xFFFFFFE0]  }
0x6b: {  	v5 =	vld [tilespmem:s25+$0xFFFFFFF0];
	(erf) = vpow2.f32 v4  }
0x6c: {  	v0 =	vmul.f32 $1.442695020e+00, v0;
	v1 =	vsub.f32 $0.0e+00, v1;
	v4 =	vld.idx.msk [tilespmem:v12+s3+$0x0], $0xffff;
	(erf) = vpow2.f32 v8  }
0x6d: {  	v8 =	vld.idx.msk [tilespmem:v13+s3+$0x0], $0xffff;
	(erf) = vpow2.f32 v7  }
0x6e: {  	v1 =	vmul.f32 $1.442695020e+00, v1;
	v7 =	vld [tilespmem:s22+$0xFFFFFFF0];
	(erf) = vpow2.f32 v6  }
0x6f: {  	s23 =	sadd.s32 $0x80, s23;
	v12 =	vld [tilespmem:s25+$0x0];
	(erf) = vpow2.f32 v3;
	v3 =	vpop (erf)  }
0x70: {  	v13 =	vld [tilespmem:s22+$0x0];
	[tilespmem:s23+$0x30] =	vst v3;
	(erf) = vpow2.f32 v0  }
0x71: {  	v0 =	vld [tilespmem:s25+$0x10];
	(erf) = vpow2.f32 v1  }
0x72: {  	v1 =	vld [tilespmem:s22+$0x10]  }
0x73: {  	v3 =	vand.u32 $0xFFFF0000, v4;
	v17 =	vshll.u32 v8, $0x10;
	v15 =	vld [tilespmem:s25+$0x20]  }
0x74: {  	v3 =	vadd.f32 v17, v3;
	v16 =	vld [tilespmem:s22+$0x20];
	v4 =	vpop (erf)  }
0x75: {  	v8 =	vld [tilespmem:s25+$0xFFFFFFC0];
	v18 =	vadd.f32 $1.000000000e+00, v4;
	v6 =	vpop (erf)  }
0x76: {  	v3 =	vsub.f32 $0.0e+00, v3;
	v14 =	vld.idx.msk [tilespmem:v14+s3+$0x0], $0xffff;
	v19 =	vadd.f32 $1.000000000e+00, v6;
	v17 =	vpop (erf)  }
0x77: {  	v10 =	vld.idx.msk [tilespmem:v10+s3+$0x0], $0xffff;
	v17 =	vadd.f32 $1.000000000e+00, v17;
	(erf) = vrcp.f32 v18;
	v4 =	vpop (erf)  }
0x78: {  	v3 =	vmul.f32 $1.442695020e+00, v3;
	v11 =	vld.idx.msk [tilespmem:v11+s3+$0x0], $0xffff;
	v4 =	vadd.f32 $1.000000000e+00, v4;
	(erf) = vrcp.f32 v19;
	v6 =	vpop (erf)  }
0x79: {  	v2 =	vld.idx.msk [tilespmem:v2+s3+$0x0], $0xffff;
	v18 =	vadd.f32 $1.000000000e+00, v6;
	(erf) = vrcp.f32 v17;
	v6 =	vpop (erf)  }
0x7a: {  	v9 =	vld.idx.msk [tilespmem:v9+s3+$0x0], $0xffff;
	(erf) = vpow2.f32 v3;
	v3 =	vadd.f32 $1.000000000e+00, v6;
	v6 =	vpop (erf)  }
0x7b: {  	v5 =	vld.idx.msk [tilespmem:v5+s3+$0x0], $0xffff;
	v17 =	vadd.f32 $1.000000000e+00, v6;
	(erf) = vrcp.f32 v4  }
0x7c: {  	v6 =	vshll.u32 v14, $0x10;
	v7 =	vld.idx.msk [tilespmem:v7+s3+$0x0], $0xffff;
	(erf) = vrcp.f32 v18  }
0x7d: {  	v14 =	vld.idx.msk [tilespmem:v8+s3+$0x0], $0xffff;
	v8 =	vand.u32 $0xFFFF0000, v10;
	(erf) = vrcp.f32 v3  }
0x7e: {  	v3 =	vshll.u32 v11, $0x10;
	v4 =	vld.idx.msk [tilespmem:v12+s3+$0x0], $0xffff;
	(erf) = vrcp.f32 v17  }
.Ltmp0:
0x7f: {  	v8 =	vadd.f32 v3, v8;
	v2 =	vand.u32 $0xFFFF0000, v2;
	v3 =	vld.idx.msk [tilespmem:v13+s3+$0x0], $0xffff;
	(pc) =	sbr.rel @p0 .LBB2_2-.Ltmp0, $4  }
0x80: {  	v9 =	vshll.u32 v9, $0x10;
	v0 =	vld.idx.msk [tilespmem:v0+s3+$0x0], $0xffff;
	v10 =	vpop (erf)  }
0x81: {  	v8 =	vsub.f32 $0.0e+00, v8;
	v9 =	vadd.f32 v9, v2;
	v5 =	vand.u32 $0xFFFF0000, v5;
	v1 =	vld.idx.msk [tilespmem:v1+s3+$0x0], $0xffff;
	[tilespmem:s23+$0xFFFFFFC0] =	vst v10;
	v10 =	vpop (erf)  }
0x82: {  	v13 =	vshll.u32 v7, $0x10;
	v2 =	vld.idx.msk [tilespmem:v15+s3+$0x0], $0xffff;
	[tilespmem:s23+$0xFFFFFFD0] =	vst v10;
	v12 =	vpop (erf)  }
0x83: {  	s25 =	sadd.s32 $0x80, s25;
	v10 =	vand.u32 $0xFFFF0000, v14;
	v7 =	vsub.f32 $0.0e+00, v9;
	v9 =	vadd.f32 v13, v5;
	v5 =	vld.idx.msk [tilespmem:v16+s3+$0x0], $0xffff;
	v11 =	vpop (erf);
	[tilespmem:s23+$0xFFFFFFE0] =	vst v12  }
0x84: {  	v6 =	vadd.f32 v6, v10;
	v4 =	vand.u32 $0xFFFF0000, v4;
	v10 =	vadd.f32 $1.000000000e+00, v11  }
0x85: {  	v8 =	vmul.f32 $1.442695020e+00, v8;
	v3 =	vshll.u32 v3, $0x10;
	v9 =	vsub.f32 $0.0e+00, v9  }
0x86: {  	v0 =	vand.u32 $0xFFFF0000, v0;
	v6 =	vsub.f32 $0.0e+00, v6;
	v1 =	vshll.u32 v1, $0x10  }
0x87: {  	v3 =	vadd.f32 v3, v4;
	v4 =	vmul.f32 $1.442695020e+00, v7;
	v0 =	vadd.f32 v1, v0  }
0x88: {  	v1 =	vand.u32 $0xFFFF0000, v2;
	v6 =	vmul.f32 $1.442695020e+00, v6;
	v2 =	vshll.u32 v5, $0x10  }
0x89: {  	(erf) = vrcp.f32 v10;
	v3 =	vsub.f32 $0.0e+00, v3;
	v1 =	vadd.f32 v2, v1  }
0x8a: {  	v2 =	vmul.f32 $1.442695020e+00, v9;
	v0 =	vsub.f32 $0.0e+00, v0;
	(erf) = vpow2.f32 v6  }
0x8b: {  	v3 =	vmul.f32 $1.442695020e+00, v3;
	(erf) = vpow2.f32 v8;
	v1 =	vsub.f32 $0.0e+00, v1  }
0x8c: {  	v0 =	vmul.f32 $1.442695020e+00, v0;
	(erf) = vpow2.f32 v4  }
0x8d: {  	v1 =	vmul.f32 $1.442695020e+00, v1  }
0x8e: {  	(erf) = vpow2.f32 v2;
	v2 =	vpop (erf)  }
0x8f: {  	(erf) = vpow2.f32 v3;
	v3 =	vpop (erf)  }
0x90: {  	(erf) = vpow2.f32 v0;
	v0 =	vpop (erf)  }
0x91: {  	(erf) = vpow2.f32 v1;
	v1 =	vpop (erf)  }
0x92: {  	v4 =	vpop (erf)  }
0x93: {  	v5 =	vpop (erf)  }
0x94: {  	v5 =	vadd.f32 $1.000000000e+00, v5;
	v6 =	vpop (erf)  }
0x95: {  	v6 =	vadd.f32 $1.000000000e+00, v6;
	v7 =	vpop (erf)  }
0x96: {  	v7 =	vadd.f32 $1.000000000e+00, v7;
	_ =	sdelay $0x1  }
0x97: {  	(erf) = vrcp.f32 v5;
	v5 =	vpop (erf)  }
0x98: {  	(erf) = vrcp.f32 v6;
	v5 =	vadd.f32 $1.000000000e+00, v5;
	v6 =	vpop (erf)  }
0x99: {  	(erf) = vrcp.f32 v7;
	v6 =	vadd.f32 $1.000000000e+00, v6;
	v7 =	vpop (erf)  }
0x9a: {  	v7 =	vadd.f32 $1.000000000e+00, v7;
	v8 =	vpop (erf);
	(erf) = vrcp.f32 v5  }
0x9b: {  	v5 =	vadd.f32 $1.000000000e+00, v8;
	(erf) = vrcp.f32 v6  }
0x9c: {  	[tilespmem:s23+$0xFFFFFFF0] =	vst v2;
	(erf) = vrcp.f32 v7  }
0x9d: {  	[tilespmem:s23+$0x0] =	vst v3;
	(erf) = vrcp.f32 v5  }
0x9e: {  	[tilespmem:s23+$0x10] =	vst v0  }
0x9f: {  	s22 =	sadd.s32 $0x80, s23;
	[tilespmem:s23+$0x20] =	vst v1  }
0xa0: {  	[tilespmem:s22+$0x30] =	vst v4;
	v0 =	vpop (erf)  }
0xa1: {  	[tilespmem:s22+$0xFFFFFFC0] =	vst v0;
	v0 =	vpop (erf)  }
0xa2: {  	[tilespmem:s22+$0xFFFFFFD0] =	vst v0;
	v0 =	vpop (erf)  }
0xa3: {  	[tilespmem:s22+$0xFFFFFFE0] =	vst v0;
	v0 =	vpop (erf)  }
0xa4: {  	[tilespmem:s22+$0xFFFFFFF0] =	vst v0;
	v0 =	vpop (erf)  }
0xa5: {  	[tilespmem:s22+$0x0] =	vst v0;
	v0 =	vpop (erf)  }
0xa6: {  	[tilespmem:s22+$0x10] =	vst v0;
	v0 =	vpop (erf)  }
0xa7: {  	[tilespmem:s22+$0x20] =	vst v0  }
0xa8: {  	[hbm4b:s8+s3] =	stream.linear.scatter [tilespmem:s16], [sflag:$0x3], $0x1388, $0x38;
	[tilespmem:$0x9E00] =	vst v63  }
0xa9: {  	_ =	swait.ge [sflag:s17], $0x1388  }
0xaa: {  	[sflag:s17] =	ssyncset.done $0x0  }
0xab: {  	[sflag:s17] =	ssyncadd.s32 $0xFFFFEC78  }
0xac: {  	_ =	swait.ge [sflag:s17], $0x1388  }
0xad: {  	[sflag:s17] =	ssyncset.done $0x0  }
0xae: {  	s29 =	simm.s32 $0x3B70;
	[sflag:s17] =	ssyncadd.s32 $0xFFFFEC78  }
0xaf: {  	s30 =	simm.s32 $0x62F0;
	v0 =	vld [tilespmem:s29+$0x0]  }
0xb0: {  	v1 =	vld [tilespmem:s30+$0x0]  }
0xb1: {  	v2 =	vld [tilespmem:s30+$0xFFFFFF90]  }
0xb2: {  	v3 =	vld [tilespmem:s29+$0xFFFFFFA0]  }
0xb3: {  	v4 =	vld [tilespmem:s30+$0xFFFFFFA0]  }
0xb4: {  	v5 =	vld [tilespmem:s29+$0xFFFFFFB0]  }
0xb5: {  	v6 =	vld [tilespmem:s30+$0xFFFFFFB0]  }
0xb6: {  	v7 =	vld [tilespmem:s29+$0xFFFFFFC0]  }
0xb7: {  	v8 =	vld [tilespmem:s30+$0xFFFFFFC0]  }
0xb8: {  	v9 =	vld [tilespmem:s29+$0xFFFFFFD0]  }
0xb9: {  	v0 =	vld.idx.msk [tilespmem:v0+s3+$0x0], $0xffff  }
0xba: {  	v1 =	vld.idx.msk [tilespmem:v1+s3+$0x0], $0xffff  }
0xbb: {  	v10 =	vld [tilespmem:s30+$0xFFFFFFD0]  }
0xbc: {  	v11 =	vld [tilespmem:s29+$0xFFFFFFE0]  }
0xbd: {  	v12 =	vld [tilespmem:s30+$0xFFFFFFE0]  }
0xbe: {  	v15 =	vld [tilespmem:s29+$0xFFFFFF90]  }
0xbf: {  	v2 =	vld.idx.msk [tilespmem:v2+s3+$0x0], $0xffff;
	v0 =	vand.u32 $0xFFFF0000, v0;
	v1 =	vshll.u32 v1, $0x10  }
0xc0: {  	v3 =	vld.idx.msk [tilespmem:v3+s3+$0x0], $0xffff;
	v0 =	vadd.f32 v1, v0  }
0xc1: {  	v1 =	vld.idx.msk [tilespmem:v4+s3+$0x0], $0xffff  }
0xc2: {  	v4 =	vld.idx.msk [tilespmem:v5+s3+$0x0], $0xffff;
	v0 =	vsub.f32 $0.0e+00, v0  }
0xc3: {  	v5 =	vld.idx.msk [tilespmem:v6+s3+$0x0], $0xffff  }
0xc4: {  	v6 =	vld.idx.msk [tilespmem:v7+s3+$0x0], $0xffff;
	v0 =	vmul.f32 $1.442695020e+00, v0  }
0xc5: {  	v7 =	vld.idx.msk [tilespmem:v8+s3+$0x0], $0xffff  }
0xc6: {  	v8 =	vld.idx.msk [tilespmem:v15+s3+$0x0], $0xffff;
	(erf) = vpow2.f32 v0  }
0xc7: {  	v14 =	vld [tilespmem:s30+$0xFFFFFFF0]  }
0xc8: {  	s31 =	simm.s32 $0x3BF0;
	v13 =	vld [tilespmem:s29+$0xFFFFFFF0]  }
0xc9: {  	v54 =	vld [tilespmem:s31+$0x0];
	v3 =	vand.u32 $0xFFFF0000, v3  }
0xca: {  	v2 =	vshll.u32 v2, $0x10;
	v1 =	vshll.u32 v1, $0x10;
	v4 =	vand.u32 $0xFFFF0000, v4;
	v0 =	vld.idx.msk [tilespmem:v9+s3+$0x0], $0xffff  }
0xcb: {  	v8 =	vand.u32 $0xFFFF0000, v8;
	v5 =	vshll.u32 v5, $0x10;
	v9 =	vld.idx.msk [tilespmem:v10+s3+$0x0], $0xffff;
	v1 =	vadd.f32 v1, v3  }
0xcc: {  	v10 =	vld.idx.msk [tilespmem:v11+s3+$0x0], $0xffff;
	v4 =	vadd.f32 v5, v4;
	v5 =	vand.u32 $0xFFFF0000, v6;
	v6 =	vshll.u32 v7, $0x10  }
0xcd: {  	s22 =	simm.s32 $0x6370;
	v11 =	vld.idx.msk [tilespmem:v12+s3+$0x0], $0xffff;
	v2 =	vadd.f32 v2, v8  }
0xce: {  	v8 =	vld [tilespmem:s22+$0x0];
	v5 =	vadd.f32 v6, v5;
	v1 =	vsub.f32 $0.0e+00, v1  }
0xcf: {  	v3 =	vld.idx.msk [tilespmem:v14+s3+$0x0], $0xffff;
	v2 =	vsub.f32 $0.0e+00, v2;
	v4 =	vsub.f32 $0.0e+00, v4;
	v6 =	vpop (erf)  }
0xd0: {  	v53 =	vld.idx.msk [tilespmem:v13+s3+$0x0], $0xffff;
	v5 =	vsub.f32 $0.0e+00, v5;
	v1 =	vmul.f32 $1.442695020e+00, v1;
	v6 =	vadd.f32 $1.000000000e+00, v6  }
0xd1: {  	v2 =	vmul.f32 $1.442695020e+00, v2;
	v0 =	vand.u32 $0xFFFF0000, v0;
	v9 =	vshll.u32 v9, $0x10  }
0xd2: {  	v55 =	vld [tilespmem:s31+$0xFFFFFFA0];
	v4 =	vmul.f32 $1.442695020e+00, v4;
	v0 =	vadd.f32 v9, v0;
	(erf) = vrcp.f32 v6  }
0xd3: {  	v56 =	vld [tilespmem:s22+$0xFFFFFFA0];
	v10 =	vand.u32 $0xFFFF0000, v10;
	v11 =	vshll.u32 v11, $0x10;
	(erf) = vpow2.f32 v2  }
0xd4: {  	v3 =	vshll.u32 v3, $0x10;
	v9 =	vld.idx.msk [tilespmem:v54+s3+$0x0], $0xffff;
	v0 =	vsub.f32 $0.0e+00, v0;
	(erf) = vpow2.f32 v1  }
0xd5: {  	v7 =	vld [tilespmem:s22+$0xFFFFFF90];
	v2 =	vadd.f32 v11, v10;
	v1 =	vand.u32 $0xFFFF0000, v53;
	(erf) = vpow2.f32 v4  }
0xd6: {  	v8 =	vld.idx.msk [tilespmem:v8+s3+$0x0], $0xffff;
	v1 =	vadd.f32 v3, v1  }
0xd7: {  	v16 =	vld [tilespmem:s31+$0xFFFFFFB0];
	v0 =	vmul.f32 $1.442695020e+00, v0;
	v4 =	vmul.f32 $1.442695020e+00, v5;
	v2 =	vsub.f32 $0.0e+00, v2  }
0xd8: {  	v17 =	vld [tilespmem:s31+$0xFFFFFFC0];
	v1 =	vsub.f32 $0.0e+00, v1  }
0xd9: {  	v57 =	vld [tilespmem:s22+$0xFFFFFFE0];
	v2 =	vmul.f32 $1.442695020e+00, v2;
	(erf) = vpow2.f32 v4;
	v4 =	vand.u32 $0xFFFF0000, v9  }
0xda: {  	v58 =	vld [tilespmem:s22+$0xFFFFFFF0];
	(erf) = vpow2.f32 v0;
	v1 =	vmul.f32 $1.442695020e+00, v1  }
0xdb: {  	v15 =	vld.idx.msk [tilespmem:v56+s3+$0x0], $0xffff;
	v8 =	vshll.u32 v8, $0x10;
	(erf) = vpow2.f32 v2;
	v0 =	vpop (erf)  }
0xdc: {  	v14 =	vld.idx.msk [tilespmem:v55+s3+$0x0], $0xffff;
	(erf) = vpow2.f32 v1;
	v1 =	vadd.f32 v8, v4;
	v4 =	vpop (erf)  }
0xdd: {  	v6 =	vld [tilespmem:s22+$0xFFFFFFB0];
	v4 =	vadd.f32 $1.000000000e+00, v4;
	v9 =	vpop (erf)  }
0xde: {  	v7 =	vld.idx.msk [tilespmem:v7+s3+$0x0], $0xffff;
	v18 =	vpop (erf)  }
0xdf: {  	v3 =	vld [tilespmem:s22+$0xFFFFFFC0];
	(erf) = vrcp.f32 v4;
	v4 =	vadd.f32 $1.000000000e+00, v18  }
0xe0: {  	v8 =	vld [tilespmem:s31+$0xFFFFFF90];
	v1 =	vsub.f32 $0.0e+00, v1;
	v9 =	vadd.f32 $1.000000000e+00, v9  }
0xe1: {  	v5 =	vld [tilespmem:s31+$0xFFFFFFD0]  }
0xe2: {  	v10 =	vld [tilespmem:s22+$0xFFFFFFD0];
	v1 =	vmul.f32 $1.442695020e+00, v1;
	(erf) = vrcp.f32 v9  }
0xe3: {  	v11 =	vld [tilespmem:s31+$0xFFFFFFE0];
	(erf) = vrcp.f32 v4;
	v4 =	vpop (erf)  }
0xe4: {  	v2 =	vld [tilespmem:s31+$0xFFFFFFF0];
	(erf) = vpow2.f32 v1;
	v1 =	vadd.f32 $1.000000000e+00, v4  }
0xe5: {  	v6 =	vld.idx.msk [tilespmem:v6+s3+$0x0], $0xffff  }
0xe6: {  	v9 =	vld.idx.msk [tilespmem:v16+s3+$0x0], $0xffff;
	v4 =	vpop (erf)  }
0xe7: {  	v61 =	vld.idx.msk [tilespmem:v3+s3+$0x0], $0xffff;
	v4 =	vadd.f32 $1.000000000e+00, v4;
	v60 =	vpop (erf)  }
0xe8: {  	v62 =	vld.idx.msk [tilespmem:v8+s3+$0x0], $0xffff;
	v8 =	vshll.u32 v15, $0x10;
	v3 =	vadd.f32 $1.000000000e+00, v60;
	(erf) = vrcp.f32 v1;
	v1 =	vpop (erf)  }
0xe9: {  	(erf) = vrcp.f32 v4;
	v4 =	vld.idx.msk [tilespmem:v5+s3+$0x0], $0xffff;
	v5 =	vand.u32 $0xFFFF0000, v14;
	v1 =	vadd.f32 $1.000000000e+00, v1  }
0xea: {  	v59 =	vld.idx.msk [tilespmem:v17+s3+$0x0], $0xffff;
	(erf) = vrcp.f32 v3;
	v5 =	vadd.f32 v8, v5  }
0xeb: {  	v3 =	vld.idx.msk [tilespmem:v10+s3+$0x0], $0xffff;
	v8 =	vand.u32 $0xFFFF0000, v9;
	v9 =	vshll.u32 v6, $0x10;
	v10 =	vpop (erf);
	(erf) = vrcp.f32 v1  }
0xec: {  	s23 =	simm.s32 $0x8A70  }
0xed: {  	[tilespmem:s23+$0x0] =	vst v0;
	v0 =	vld.idx.msk [tilespmem:v11+s3+$0x0], $0xffff;
	v11 =	vshll.u32 v61, $0x10  }
0xee: {  	v2 =	vld.idx.msk [tilespmem:v2+s3+$0x0], $0xffff;
	v6 =	vshll.u32 v7, $0x10;
	v7 =	vadd.f32 v9, v8;
	[tilespmem:s23+$0xFFFFFF90] =	vst v10;
	v9 =	vpop (erf)  }
0xef: {  	v8 =	vsub.f32 $0.0e+00, v5;
	v5 =	vand.u32 $0xFFFF0000, v59;
	v1 =	vld.idx.msk [tilespmem:v57+s3+$0x0], $0xffff;
	[tilespmem:s23+$0xFFFFFFA0] =	vst v9;
	v63 =	vpop (erf)  }
0xf0: {  	s24 =	simm.s32 $0x140;
	s25 =	simm.s32 $0x3C70;
	v10 =	vand.u32 $0xFFFF0000, v62;
	v7 =	vsub.f32 $0.0e+00, v7;
	v9 =	vadd.f32 v11, v5;
	v5 =	vld.idx.msk [tilespmem:v58+s3+$0x0], $0xffff;
	v11 =	vpop (erf);
	[tilespmem:s23+$0xFFFFFFB0] =	vst v63  }
.LBB2_4:
0xf1: {  	v12 =	vld [tilespmem:s25+$0x0];
	v6 =	vadd.f32 v6, v10;
	v15 =	vand.u32 $0xFFFF0000, v4;
	v10 =	vadd.f32 $1.000000000e+00, v11;
	s22 =	sadd.s32 $0x80, s22;
	v11 =	vpop (erf)  }
0xf2: {  	s24 =	sadd.s32 $0x8, s24;
	v8 =	vmul.f32 $1.442695020e+00, v8;
	v3 =	vshll.u32 v3, $0x10;
	v13 =	vld [tilespmem:s22+$0x0];
	v9 =	vsub.f32 $0.0e+00, v9;
	[tilespmem:s23+$0xFFFFFFC0] =	vst v11;
	v11 =	vpop (erf)  }
0xf3: {  	p0 =	slt.u32 s24, $0x268;
	v3 =	vadd.f32 v3, v15;
	v0 =	vand.u32 $0xFFFF0000, v0;
	v14 =	vld [tilespmem:s22+$0xFFFFFF90];
	(erf) = vrcp.f32 v10;
	[tilespmem:s23+$0xFFFFFFD0] =	vst v11;
	v4 =	vpop (erf)  }
0xf4: {  	v7 =	vmul.f32 $1.442695020e+00, v7;
	v6 =	vsub.f32 $0.0e+00, v6;
	v1 =	vshll.u32 v1, $0x10;
	v10 =	vld [tilespmem:s25+$0xFFFFFFA0];
	[tilespmem:s23+$0xFFFFFFE0] =	vst v4;
	v4 =	vpop (erf)  }
0xf5: {  	v3 =	vsub.f32 $0.0e+00, v3;
	v0 =	vadd.f32 v1, v0;
	v1 =	vand.u32 $0xFFFF0000, v2;
	v11 =	vld [tilespmem:s22+$0xFFFFFFA0];
	[tilespmem:s23+$0xFFFFFFF0] =	vst v4  }
0xf6: {  	v4 =	vmul.f32 $1.442695020e+00, v6;
	v6 =	vmul.f32 $1.442695020e+00, v9;
	v5 =	vshll.u32 v5, $0x10;
	v2 =	vld [tilespmem:s25+$0xFFFFFFB0]  }
0xf7: {  	v3 =	vmul.f32 $1.442695020e+00, v3;
	v0 =	vsub.f32 $0.0e+00, v0;
	v1 =	vadd.f32 v5, v1;
	v9 =	vld [tilespmem:s22+$0xFFFFFFB0]  }
0xf8: {  	v5 =	vld [tilespmem:s25+$0xFFFFFFC0];
	(erf) = vpow2.f32 v4  }
0xf9: {  	v0 =	vmul.f32 $1.442695020e+00, v0;
	v1 =	vsub.f32 $0.0e+00, v1;
	v4 =	vld.idx.msk [tilespmem:v12+s3+$0x0], $0xffff;
	(erf) = vpow2.f32 v8  }
0xfa: {  	v8 =	vld.idx.msk [tilespmem:v13+s3+$0x0], $0xffff;
	(erf) = vpow2.f32 v7  }
0xfb: {  	v1 =	vmul.f32 $1.442695020e+00, v1;
	v7 =	vld [tilespmem:s22+$0xFFFFFFC0];
	(erf) = vpow2.f32 v6  }
0xfc: {  	s23 =	sadd.s32 $0x80, s23;
	v12 =	vld [tilespmem:s25+$0xFFFFFFD0];
	(erf) = vpow2.f32 v3;
	v3 =	vpop (erf)  }
0xfd: {  	v13 =	vld [tilespmem:s22+$0xFFFFFFD0];
	[tilespmem:s23+$0x0] =	vst v3;
	(erf) = vpow2.f32 v0  }
0xfe: {  	v0 =	vld [tilespmem:s25+$0xFFFFFFE0];
	(erf) = vpow2.f32 v1  }
0xff: {  	v1 =	vld [tilespmem:s22+$0xFFFFFFE0]  }
0x100: {  	v3 =	vand.u32 $0xFFFF0000, v4;
	v17 =	vshll.u32 v8, $0x10;
	v15 =	vld [tilespmem:s25+$0xFFFFFFF0]  }
0x101: {  	v3 =	vadd.f32 v17, v3;
	v16 =	vld [tilespmem:s22+$0xFFFFFFF0];
	v4 =	vpop (erf)  }
0x102: {  	v8 =	vld [tilespmem:s25+$0xFFFFFF90];
	v18 =	vadd.f32 $1.000000000e+00, v4;
	v6 =	vpop (erf)  }
0x103: {  	v3 =	vsub.f32 $0.0e+00, v3;
	v14 =	vld.idx.msk [tilespmem:v14+s3+$0x0], $0xffff;
	v19 =	vadd.f32 $1.000000000e+00, v6;
	v17 =	vpop (erf)  }
0x104: {  	v10 =	vld.idx.msk [tilespmem:v10+s3+$0x0], $0xffff;
	v17 =	vadd.f32 $1.000000000e+00, v17;
	(erf) = vrcp.f32 v18;
	v4 =	vpop (erf)  }
0x105: {  	v3 =	vmul.f32 $1.442695020e+00, v3;
	v11 =	vld.idx.msk [tilespmem:v11+s3+$0x0], $0xffff;
	v4 =	vadd.f32 $1.000000000e+00, v4;
	(erf) = vrcp.f32 v19;
	v6 =	vpop (erf)  }
0x106: {  	v2 =	vld.idx.msk [tilespmem:v2+s3+$0x0], $0xffff;
	v18 =	vadd.f32 $1.000000000e+00, v6;
	(erf) = vrcp.f32 v17;
	v6 =	vpop (erf)  }
0x107: {  	v9 =	vld.idx.msk [tilespmem:v9+s3+$0x0], $0xffff;
	(erf) = vpow2.f32 v3;
	v3 =	vadd.f32 $1.000000000e+00, v6;
	v6 =	vpop (erf)  }
0x108: {  	v5 =	vld.idx.msk [tilespmem:v5+s3+$0x0], $0xffff;
	v17 =	vadd.f32 $1.000000000e+00, v6;
	(erf) = vrcp.f32 v4  }
0x109: {  	v6 =	vshll.u32 v14, $0x10;
	v7 =	vld.idx.msk [tilespmem:v7+s3+$0x0], $0xffff;
	(erf) = vrcp.f32 v18  }
0x10a: {  	v14 =	vld.idx.msk [tilespmem:v8+s3+$0x0], $0xffff;
	v8 =	vand.u32 $0xFFFF0000, v10;
	(erf) = vrcp.f32 v3  }
0x10b: {  	v3 =	vshll.u32 v11, $0x10;
	v4 =	vld.idx.msk [tilespmem:v12+s3+$0x0], $0xffff;
	(erf) = vrcp.f32 v17  }
.Ltmp1:
0x10c: {  	v8 =	vadd.f32 v3, v8;
	v2 =	vand.u32 $0xFFFF0000, v2;
	v3 =	vld.idx.msk [tilespmem:v13+s3+$0x0], $0xffff;
	(pc) =	sbr.rel @p0 .LBB2_4-.Ltmp1, $4  }
0x10d: {  	v9 =	vshll.u32 v9, $0x10;
	v0 =	vld.idx.msk [tilespmem:v0+s3+$0x0], $0xffff;
	v10 =	vpop (erf)  }
0x10e: {  	v8 =	vsub.f32 $0.0e+00, v8;
	v9 =	vadd.f32 v9, v2;
	v5 =	vand.u32 $0xFFFF0000, v5;
	v1 =	vld.idx.msk [tilespmem:v1+s3+$0x0], $0xffff;
	[tilespmem:s23+$0xFFFFFF90] =	vst v10;
	v10 =	vpop (erf)  }
0x10f: {  	v13 =	vshll.u32 v7, $0x10;
	v2 =	vld.idx.msk [tilespmem:v15+s3+$0x0], $0xffff;
	[tilespmem:s23+$0xFFFFFFA0] =	vst v10;
	v12 =	vpop (erf)  }
0x110: {  	s25 =	sadd.s32 $0x80, s25;
	v10 =	vand.u32 $0xFFFF0000, v14;
	v7 =	vsub.f32 $0.0e+00, v9;
	v9 =	vadd.f32 v13, v5;
	v5 =	vld.idx.msk [tilespmem:v16+s3+$0x0], $0xffff;
	v11 =	vpop (erf);
	[tilespmem:s23+$0xFFFFFFB0] =	vst v12  }
0x111: {  	v6 =	vadd.f32 v6, v10  }
0x112: {  	v4 =	vand.u32 $0xFFFF0000, v4;
	v39 =	vadd.f32 $1.000000000e+00, v11;
	v8 =	vmul.f32 $1.442695020e+00, v8  }
0x113: {  	v3 =	vshll.u32 v3, $0x10;
	v9 =	vsub.f32 $0.0e+00, v9;
	v6 =	vsub.f32 $0.0e+00, v6  }
0x114: {  	v3 =	vadd.f32 v3, v4;
	v0 =	vand.u32 $0xFFFF0000, v0;
	v40 =	vmul.f32 $1.442695020e+00, v7  }
0x115: {  	(erf) = vrcp.f32 v39;
	v1 =	vshll.u32 v1, $0x10;
	v6 =	vmul.f32 $1.442695020e+00, v6  }
0x116: {  	v0 =	vadd.f32 v1, v0;
	v41 =	vand.u32 $0xFFFF0000, v2;
	v42 =	vshll.u32 v5, $0x10  }
0x117: {  	v3 =	vsub.f32 $0.0e+00, v3;
	v1 =	vadd.f32 v42, v41;
	(erf) = vpow2.f32 v6  }
0x118: {  	v43 =	vmul.f32 $1.442695020e+00, v9;
	v0 =	vsub.f32 $0.0e+00, v0;
	(erf) = vpow2.f32 v8  }
0x119: {  	v3 =	vmul.f32 $1.442695020e+00, v3;
	v1 =	vsub.f32 $0.0e+00, v1;
	(erf) = vpow2.f32 v40  }
0x11a: {  	v0 =	vmul.f32 $1.442695020e+00, v0;
	(erf) = vpow2.f32 v43  }
0x11b: {  	v44 =	vpop (erf);
	v1 =	vmul.f32 $1.442695020e+00, v1;
	(erf) = vpow2.f32 v3  }
0x11c: {  	v45 =	vpop (erf);
	(erf) = vpow2.f32 v0  }
0x11d: {  	v46 =	vpop (erf);
	(erf) = vpow2.f32 v1  }
0x11e: {  	v47 =	vpop (erf)  }
0x11f: {  	v48 =	vpop (erf)  }
0x120: {  	v49 =	vpop (erf)  }
0x121: {  	v5 =	vadd.f32 $1.000000000e+00, v49;
	v50 =	vpop (erf)  }
0x122: {  	v6 =	vadd.f32 $1.000000000e+00, v50;
	v51 =	vpop (erf)  }
0x123: {  	v7 =	vadd.f32 $1.000000000e+00, v51;
	(erf) = vrcp.f32 v5;
	v52 =	vpop (erf)  }
0x124: {  	v5 =	vadd.f32 $1.000000000e+00, v52;
	(erf) = vrcp.f32 v6;
	v53 =	vpop (erf)  }
0x125: {  	v6 =	vadd.f32 $1.000000000e+00, v53;
	(erf) = vrcp.f32 v7;
	v54 =	vpop (erf)  }
0x126: {  	v7 =	vadd.f32 $1.000000000e+00, v54;
	v55 =	vpop (erf);
	(erf) = vrcp.f32 v5  }
0x127: {  	v56 =	vadd.f32 $1.000000000e+00, v55;
	(erf) = vrcp.f32 v6  }
0x128: {  	[tilespmem:s23+$0xFFFFFFC0] =	vst v44;
	(erf) = vrcp.f32 v7  }
0x129: {  	[tilespmem:s23+$0xFFFFFFD0] =	vst v45;
	(erf) = vrcp.f32 v56  }
0x12a: {  	[tilespmem:s23+$0xFFFFFFE0] =	vst v46  }
0x12b: {  	s22 =	sadd.s32 $0x80, s23;
	[tilespmem:s23+$0xFFFFFFF0] =	vst v47  }
0x12c: {  	[tilespmem:s22+$0x0] =	vst v48;
	v57 =	vpop (erf)  }
0x12d: {  	[tilespmem:s22+$0xFFFFFF90] =	vst v57;
	v58 =	vpop (erf)  }
0x12e: {  	[tilespmem:s22+$0xFFFFFFA0] =	vst v58;
	v59 =	vpop (erf)  }
0x12f: {  	[tilespmem:s22+$0xFFFFFFB0] =	vst v59;
	v60 =	vpop (erf)  }
0x130: {  	[tilespmem:s22+$0xFFFFFFC0] =	vst v60;
	v61 =	vpop (erf)  }
0x131: {  	[tilespmem:s22+$0xFFFFFFD0] =	vst v61;
	v62 =	vpop (erf)  }
0x132: {  	[tilespmem:s22+$0xFFFFFFE0] =	vst v62;
	v63 =	vpop (erf)  }
0x133: {  	[tilespmem:s22+$0xFFFFFFF0] =	vst v63  }
0x134: {  	v0 =	vld [tilespmem:$0x4E80]  }
0x135: {  	v1 =	vld [tilespmem:$0x7600];
	_ =	sdelay $0x6  }
0x136: {  	v0 =	vld.idx.msk [tilespmem:v0+s3+$0x0], $0xffff  }
0x137: {  	v1 =	vld.idx.msk [tilespmem:v1+s3+$0x0], $0xffff;
	_ =	sdelay $0x4  }
0x138: {  	v0 =	vand.u32 $0xFFFF0000, v0;
	v1 =	vshll.u32 v1, $0x10  }
0x139: {  	v0 =	vadd.f32 v1, v0;
	_ =	sdelay $0x1  }
0x13a: {  	v0 =	vsub.f32 $0.0e+00, v0;
	_ =	sdelay $0x1  }
0x13b: {  	v0 =	vmul.f32 $1.442695020e+00, v0;
	_ =	sdelay $0x1  }
0x13c: {  	(erf) = vpow2.f32 v0;
	_ =	sdelay $0x8  }
0x13d: {  	v0 =	vpop (erf)  }
0x13e: {  	v0 =	vadd.f32 $1.000000000e+00, v0;
	_ =	sdelay $0x1  }
0x13f: {  	(erf) = vrcp.f32 v0;
	_ =	sdelay $0x8  }
0x140: {  	v0 =	vpop (erf)  }
0x141: {  	[tilespmem:$0x9D80] =	vst v0  }
0x142: {  	s21 =	sadd.s32 $0x1, s21;
	_ =	swait.ge [sflag:s18], $0x1388  }
0x143: {  	p0 =	sne.s32 s21, s10;
	[sflag:s18] =	ssyncset.done $0x0  }
.Ltmp2:
0x144: {  	[sflag:s18] =	ssyncadd.s32 $0xFFFFEC78;
	(pc) =	sbr.rel @p0 .LBB2_1-.Ltmp2, $4  }
0x145: {  	[hbm4b:s9+s3] =	stream.linear.scatter [tilespmem:s19], [sflag:$0x4], $0x1388, $0x38;
	[tilespmem:$0x9E00] =	vst v63  }
0x146: {  	_ =	swait.ge [sflag:s20], $0x1388  }
0x147: {  	[sflag:s20] =	ssyncset.done $0x0  }
0x148: {  	[sflag:s20] =	ssyncadd.s32 $0xFFFFEC78  }
0x149: {  	_ =	sfence.sel $0x180000  }
0x14a: {  	[bflag:$0x0] =	sbarrier.arrive $0xFFFF  }
0x14b: {  	p0 =	sne.s32 s0, $0x0;
	_ =	strace $0x90000047  }
0x14c: {  	s0 =	sadd.s32 @!p0 $0x100000, s2;
	[bflag:$0x2] =	sbarrier.arrive $0xFFFF  }
0x14d: {  	[sflag:s0] =	ssyncadd.tile.s32 @!p0 $0x1;
	_ =	shalt  }
.Lfunc_end2:
_tile_overlayer_lowered:
.L_overlay_start_2:
0x14e: {  	(tag) =	ssettag $0x2  }
0x14f: {  	s0 =	rddreg [dreg:$0x0];
	s2 =	stileid.u32  }
0x150: {  	s1 =	rddreg [dreg:$0x1];
	p0 =	sne.s32 s2, $0x0  }
0x151: {  	s3 =	rddreg [dreg:$0x2];
	[bflag:$0x3] =	sbarrier.arrive $0xFFFF;
	s2 =	simm.s32 @!p0 $0x1C04  }
0x152: {  	[timem:s3], [sflag:s2] =	dma.local @!p0 [hbm:s0], s1  }
0x153: {  	s0 =	simm.s32 @!p0 $0x4  }
0x154: {  	_ =	swait.ge @!p0 [sflag:s0], s1  }
0x155: {  	s1 =	ssub.s32 @!p0 $0x0, s1;
	[sflag:s0] =	ssyncset.done @!p0 $0x0  }
0x156: {  	[sflag:s0] =	ssyncadd.s32 @!p0 s1  }
0x157: {  	[bflag:$0x3] =	sbarrier.arrive $0xFFFF  }
0x158: {  	_ =	shalt  }

</sc_bundles>
